<compile_context>
chip_gen: v7x
topology: tpu7x:2x2x1
jax: 0.10.2.dev20260603
libtpu: 0.0.44.dev20260713+nightly
codegen_flags: <defaults>
</compile_context>

<pallas_src>
import functools
import numpy as np
import jax
import jax.numpy as jnp
from jax import lax
from jax.experimental import pallas as pl
from jax.experimental.pallas import tpu as pltpu
from jax.experimental.pallas import tpu_sc as plsc

N = 10000
E = 320000
D_IN = 128
H = 8
D_H = 16
D = H * D_H
R_IN = 64
ROW = D + 16

NB = 10
BN = N // NB

NTILES = 32
EPT = E // NTILES
CH = 80
NCH = EPT // CH
NPAD = 10240


def _consts():
    hh, dd = np.meshgrid(np.arange(H), np.arange(D_H), indexing="ij")
    src = (hh * D_H + dd).ravel()
    dstp = (dd * H + hh).ravel()
    P1 = np.zeros((D, D), np.float32)
    P1[src, dstp] = 1.0
    P2 = P1.T.copy()
    M8 = np.zeros((D, H), np.float32)
    M8[src, hh.ravel()] = 1.0
    Q = np.zeros((H, D), np.float32)
    Q[hh.ravel(), src] = 1.0
    S1 = np.zeros((2 * D, D), np.float32)
    S2 = np.zeros((2 * D, D), np.float32)
    S1[(hh * 2 * D_H + dd).ravel(), src] = 1.0
    S2[(hh * 2 * D_H + D_H + dd).ravel(), src] = 1.0
    return (jnp.asarray(P1), jnp.asarray(P2), jnp.asarray(M8),
            jnp.asarray(Q), jnp.asarray(S1), jnp.asarray(S2))



def _pre_body(x_ref, wn_ref, bn_ref, ws_ref, bs_ref, wr_ref, br_ref,
              rel_ref, wrel_ref, wprop_ref, bprop_ref,
              p1_ref, m8_ref, s1_ref, s2_ref,
              srct_ref, dstt_ref, res_ref, msrc_ref, relout_ref):
    i = pl.program_id(0)
    x = x_ref[...]
    h = jnp.dot(x, wn_ref[...], preferred_element_type=jnp.float32) + bn_ref[...]
    s = jnp.dot(h, ws_ref[...], preferred_element_type=jnp.float32) + bs_ref[...]
    r = jnp.dot(rel_ref[...], wrel_ref[...], preferred_element_type=jnp.float32)
    rsrc = jnp.dot(r, s1_ref[...], preferred_element_type=jnp.float32)
    rdst = jnp.dot(r, s2_ref[...], preferred_element_type=jnp.float32)
    es8 = jnp.dot(s * rsrc, m8_ref[...], preferred_element_type=jnp.float32)
    ed8 = jnp.dot(h * rdst, m8_ref[...], preferred_element_type=jnp.float32)
    sT = jnp.dot(s, p1_ref[...], preferred_element_type=jnp.float32)
    srct_ref[:, :D] = sT
    srct_ref[:, D:D + 8] = es8
    srct_ref[:, D + 8:] = es8
    dstt_ref[:, :8] = ed8
    dstt_ref[:, 8:] = ed8
    res_ref[...] = (jnp.dot(x, wr_ref[...], preferred_element_type=jnp.float32)
                    + br_ref[...])
    bmax = jnp.max(es8, axis=0, keepdims=True)

    @pl.when(i == 0)
    def _():
        msrc_ref[...] = bmax
        relout_ref[...] = (jnp.dot(rel_ref[...], wprop_ref[...],
                                   preferred_element_type=jnp.float32)
                           + bprop_ref[...])

    @pl.when(i > 0)
    def _():
        msrc_ref[...] = jnp.maximum(msrc_ref[...], bmax)


def _pre(x, W_node, b_node, W_src, b_src, W_res, b_res,
         rel2, W_rel, W_prop, b_prop2, P1, M8, S1, S2):
    full = lambda shape: pl.BlockSpec(shape, lambda i: (0, 0))
    return pl.pallas_call(
        _pre_body,
        grid=(NB,),
        in_specs=[
            pl.BlockSpec((BN, D_IN), lambda i: (i, 0)),
            full((D_IN, D)), full((1, D)),
            full((D, D)), full((1, D)),
            full((D_IN, D)), full((1, D)),
            full((1, R_IN)), full((R_IN, 2 * D)),
            full((R_IN, D)), full((1, D)),
            full((D, D)), full((D, H)), full((2 * D, D)), full((2 * D, D)),
        ],
        out_specs=[
            pl.BlockSpec((BN, ROW), lambda i: (i, 0)),
            pl.BlockSpec((BN, 16), lambda i: (i, 0)),
            pl.BlockSpec((BN, D), lambda i: (i, 0)),
            full((1, 8)),
            full((1, D)),
        ],
        out_shape=[
            jax.ShapeDtypeStruct((N, ROW), jnp.float32),
            jax.ShapeDtypeStruct((N, 16), jnp.float32),
            jax.ShapeDtypeStruct((N, D), jnp.float32),
            jax.ShapeDtypeStruct((1, 8), jnp.float32),
            jax.ShapeDtypeStruct((1, D), jnp.float32),
        ],
    )(x, W_node, b_node, W_src, b_src, W_res, b_res,
      rel2, W_rel, W_prop, b_prop2, P1, M8, S1, S2)



def _edge_body(srcid_hbm, dstid_hbm, srct_hbm, dstt_hbm, msrc_hbm,
               out_hbm,
               agg_sh, sidx, didx, srcbuf, dstbuf, msgbuf, msrc_v,
               sem_s, sem_d):
    c = lax.axis_index("c")
    s = lax.axis_index("s")
    wid = c * 16 + s
    pltpu.sync_copy(msrc_hbm, msrc_v)
    mreg = msrc_v[...]
    zero = jnp.zeros((16,), jnp.float32)

    def _zrow(e, _):
        for v in range(ROW // 16):
            msgbuf[e, pl.ds(v * 16, 16)] = zero
        return 0

    lax.fori_loop(0, CH, _zrow, 0)
    rows0 = s * (NPAD // 16)
    for k in range(NPAD // 16 // CH):
        pltpu.sync_copy(msgbuf, agg_sh.at[pl.ds(rows0 + k * CH, CH)])
    plsc.subcore_barrier()

    def _chunk(ci, _):
        base = wid * EPT + ci * CH
        pltpu.sync_copy(srcid_hbm.at[pl.ds(base, CH)], sidx)
        pltpu.sync_copy(dstid_hbm.at[pl.ds(base, CH)], didx.at[0])
        cp_s = pltpu.async_copy(srct_hbm.at[sidx], srcbuf, sem_s)
        cp_d = pltpu.async_copy(dstt_hbm.at[didx.at[0]], dstbuf, sem_d)
        cp_s.wait()
        cp_d.wait()

        @plsc.parallel_loop(0, CH, 1, unroll=4)
        def _edge(e):
            ed = dstbuf[e, :]
            es = srcbuf[e, pl.ds(D, 16)]
            t = es + ed
            lk = jnp.where(t > 0, t, t * 0.2)
            u = mreg + ed
            lb = jnp.where(u > 0, u, u * 0.2)
            ex = jnp.exp(lk - lb)
            for v in range(8):
                msgbuf[e, pl.ds(v * 16, 16)] = (
                    srcbuf[e, pl.ds(v * 16, 16)] * ex)
            msgbuf[e, pl.ds(D, 16)] = ex
        pltpu.sync_copy(msgbuf, agg_sh.at[didx.at[0]], add=True)
        return 0

    lax.fori_loop(0, NCH, _chunk, 0)
    plsc.subcore_barrier()
    pltpu.sync_copy(agg_sh.at[pl.ds(rows0, NPAD // 16)],
                    out_hbm.at[c].at[pl.ds(rows0, NPAD // 16)])


def _edge(src_ids, dst_ids, SRCT, DSTT, MSRC16):
    mesh = plsc.VectorSubcoreMesh(core_axis_name="c", subcore_axis_name="s")
    k = pl.kernel(
        _edge_body,
        out_type=jax.ShapeDtypeStruct((2, NPAD, ROW), jnp.float32),
        mesh=mesh,
        compiler_params=pltpu.CompilerParams(use_tc_tiling_on_sc=False),
        scratch_types=[
            pltpu.VMEM_SHARED((NPAD, ROW), jnp.float32),
            pltpu.VMEM((CH,), jnp.int32),
            pltpu.VMEM((1, CH), jnp.int32),
            pltpu.VMEM((CH, ROW), jnp.float32),
            pltpu.VMEM((CH, 16), jnp.float32),
            pltpu.VMEM((CH, ROW), jnp.float32),
            pltpu.VMEM((16,), jnp.float32),
            pltpu.SemaphoreType.DMA,
            pltpu.SemaphoreType.DMA,
        ],
    )
    return k(src_ids, dst_ids, SRCT, DSTT, MSRC16)



def _post_body(a0_ref, a1_ref, res_ref, p2_ref, q_ref, rw_ref, out_ref):
    t = a0_ref[...] + a1_ref[...]
    aggT = t[:, :D]
    den8 = t[:, D:D + 8]
    unnorm = jnp.dot(aggT, p2_ref[...], preferred_element_type=jnp.float32)
    denx = jnp.dot(den8, q_ref[...], preferred_element_type=jnp.float32)
    agg = unnorm / (denx + 1e-16)
    outv = jnp.maximum(agg, 0.0)
    a = 1.0 / (1.0 + jnp.exp(-rw_ref[0, 0]))
    out_ref[...] = outv * a + res_ref[...] * (1.0 - a)


def _post(A0, A1, RES, P2, Q, rw2):
    full = lambda shape: pl.BlockSpec(shape, lambda i: (0, 0))
    return pl.pallas_call(
        _post_body,
        grid=(NB,),
        in_specs=[
            pl.BlockSpec((BN, ROW), lambda i: (i, 0)),
            pl.BlockSpec((BN, ROW), lambda i: (i, 0)),
            pl.BlockSpec((BN, D), lambda i: (i, 0)),
            full((D, D)), full((H, D)), full((1, 1)),
        ],
        out_specs=pl.BlockSpec((BN, D), lambda i: (i, 0)),
        out_shape=jax.ShapeDtypeStruct((N, D), jnp.float32),
    )(A0, A1, RES, P2, Q, rw2)



@jax.jit
def kernel(x, edge_index, rel_emb, W_node, b_node, W_src, b_src, W_rel,
           W_res, b_res, res_w, w_cross, W_prop, b_prop):
    P1, P2, M8, Q, S1, S2 = _consts()
    rel2 = rel_emb.reshape(1, R_IN)
    SRCT, DSTT, RES, MSRC, RELOUT = _pre(
        x, W_node, b_node.reshape(1, D), W_src, b_src.reshape(1, D),
        W_res, b_res.reshape(1, D), rel2, W_rel, W_prop,
        b_prop.reshape(1, D), P1, M8, S1, S2)
    MSRC16 = jnp.concatenate([MSRC, MSRC], axis=1).reshape(16)
    src_ids = edge_index[0]
    dst_ids = edge_index[1]
    AGG = _edge(src_ids, dst_ids, SRCT, DSTT, MSRC16)
    crossed = _post(AGG[0, :N], AGG[1, :N], RES, P2, Q, res_w.reshape(1, 1))
    return crossed, RELOUT.reshape(D)

# --- scband reference (transcript-rebuilt; emitter-appended) ---
"""Pipeline reference for scband-r-hgt-8959301780058 (READ-ONLY COPY).

The authoritative reference and input builder live on the scoring server;
editing this copy changes nothing except your own understanding.
"""

import jax, jax.numpy as jnp
import numpy as np

N = 10000
E = 320000
D_IN = 128
H = 8
D_H = 16
R_IN = 64
R_H = 16


def segment_softmax(e, seg, num_segments):
    m = jax.ops.segment_max(e, seg, num_segments)
    ex = jnp.exp(e - m[seg])
    denom = jax.ops.segment_sum(ex, seg, num_segments)
    return ex / (denom[seg] + 1e-16)


def setup_inputs(seed: int = 0):
    key = jax.random.key(seed)
    ks = jax.random.split(key, 16)
    inp = {}
    inp['x'] = jax.random.normal(ks[0], (N, D_IN), dtype=jnp.float32)
    inp['edge_index'] = jax.random.randint(ks[1], (2, E), 0, N, dtype=jnp.int32)
    inp['rel_emb'] = jax.random.normal(ks[2], (R_IN,), dtype=jnp.float32)
    # learned parameters (single node type / single relation type instantiation)
    inp['W_node'] = jax.random.normal(ks[3], (D_IN, H * D_H), dtype=jnp.float32) / np.sqrt(D_IN)
    inp['b_node'] = jnp.zeros((H * D_H,), dtype=jnp.float32)
    inp['W_src'] = jax.random.normal(ks[4], (H * D_H, H * D_H), dtype=jnp.float32) / np.sqrt(H * D_H)
    inp['b_src'] = jnp.zeros((H * D_H,), dtype=jnp.float32)
    inp['W_rel'] = jax.random.normal(ks[5], (R_IN, H * 2 * D_H), dtype=jnp.float32) / np.sqrt(R_IN)
    inp['W_res'] = jax.random.normal(ks[6], (D_IN, H * D_H), dtype=jnp.float32) / np.sqrt(D_IN)
    inp['b_res'] = jnp.zeros((H * D_H,), dtype=jnp.float32)
    inp['res_w'] = jax.random.normal(ks[7], (), dtype=jnp.float32)
    inp['w_cross'] = jax.random.normal(ks[8], (H, D_H), dtype=jnp.float32) / np.sqrt(D_H)
    inp['W_prop'] = jax.random.normal(ks[9], (R_IN, H * R_H), dtype=jnp.float32) / np.sqrt(R_IN)
    inp['b_prop'] = jnp.zeros((H * R_H,), dtype=jnp.float32)
    return inp


def reference(x, edge_index, rel_emb, W_node, b_node, W_src, b_src, W_rel, W_res, b_res, res_w, w_cross, W_prop, b_prop):
    src = edge_index[0]
    dst = edge_index[1]
    # node transformation (per ntype linear)
    h = x @ W_node + b_node                       # [N, H*D_H]
    # relation-specific source transformation (per etype linear)
    s = h @ W_src + b_src                         # [N, H*D_H]
    hH = h.reshape(N, H, D_H)
    sH = s.reshape(N, H, D_H)
    # relation transformation weight -> per-head src/dst attention vectors
    r = (rel_emb @ W_rel).reshape(H, 2 * D_H)
    r_src = r[:, :D_H]
    r_dst = r[:, D_H:]
    e_src = (sH * r_src[None, :, :]).sum(-1)      # [N, H]
    e_dst = (hH * r_dst[None, :, :]).sum(-1)      # [N, H]
    # edge-level attention logits (gather) + leaky relu
    e = jax.nn.leaky_relu(e_src[src] + e_dst[dst], negative_slope=0.2)  # [E, H]
    # segment softmax over incoming edges per destination node
    alpha = segment_softmax(e, dst, N)            # [E, H]
    # message passing: gather src features, weight, scatter-add to dst
    msg = sH[src] * alpha[:, :, None]             # [E, H, D_H]
    agg = jax.ops.segment_sum(msg, dst, N)        # [N, H, D_H]
    out = jax.nn.relu(agg).reshape(N, H * D_H)
    # residual connection with learned gate
    a = jax.nn.sigmoid(res_w)
    out = out * a + (x @ W_res + b_res) * (1.0 - a)
    # relations crossing (softmax attention over relation axis; single relation here)
    feats = out.reshape(1, N, H, D_H)
    scores = jax.nn.leaky_relu((feats * w_cross[None, None, :, :]).sum(-1), negative_slope=0.2)  # [1, N, H]
    attn = jax.nn.softmax(scores, axis=0)
    crossed = (feats * attn[..., None]).sum(0).reshape(N, H * D_H)
    # relation propagation
    rel_out = rel_emb @ W_prop + b_prop           # [H*R_H]
    return crossed, rel_out

if __name__ == "__main__":
    import jax
    _d = setup_inputs()
    print(jax.jit(kernel)(*tuple(_d.values())))

</pallas_src>

<mosaic_0001>
#map = affine_map<(d0, d1) -> (0)>
#map1 = affine_map<(d0, d1) -> (0, 0)>
#map2 = affine_map<(d0, d1) -> (0, 0, 0)>
module attributes {stable_mosaic.version = 14 : i64} {
  func.func @_edge_body(%arg0: i32, %arg1: i32, %arg2: memref<320000xi32, #tpu.memory_space<hbm>>, %arg3: memref<320000xi32, #tpu.memory_space<hbm>>, %arg4: memref<10000x144xf32, #tpu.memory_space<hbm>>, %arg5: memref<10000x16xf32, #tpu.memory_space<hbm>>, %arg6: memref<16xf32, #tpu.memory_space<hbm>>, %arg7: memref<2x10240x144xf32, #tpu.memory_space<hbm>>, %arg8: memref<10240x144xf32, #tpu.memory_space<vmem_shared>>, %arg9: memref<80xi32, #tpu.memory_space<vmem>>, %arg10: memref<1x80xi32, #tpu.memory_space<vmem>>, %arg11: memref<80x144xf32, #tpu.memory_space<vmem>>, %arg12: memref<80x16xf32, #tpu.memory_space<vmem>>, %arg13: memref<80x144xf32, #tpu.memory_space<vmem>>, %arg14: memref<16xf32, #tpu.memory_space<vmem>>, %arg15: memref<!tpu.dma_semaphore, #tpu.memory_space<semaphore_mem>>, %arg16: memref<!tpu.dma_semaphore, #tpu.memory_space<semaphore_mem>>) attributes {dimension_semantics = [#tpu.dimension_semantics<core_parallel>, #tpu.dimension_semantics<subcore_parallel>], iteration_bounds = array<i64: 2, 16>, scalar_prefetch = 0 : i64, scratch_operands = 9 : i64, tpu.core_type = #tpu.core_type<sc_vector_subcore>, window_params = [{transform_indices = #map}, {transform_indices = #map}, {transform_indices = #map1}, {transform_indices = #map1}, {transform_indices = #map}, {transform_indices = #map2}]} {
    %mul3A = arith.constant 16 : i32
    %mul3A_0 = arith.muli %arg0, %mul3A : i32
    %add3A = arith.addi %mul3A_0, %arg1 : i32
    "tpu.region"() ({
      %run_scoped3A = tpu.sem_alloc : memref<!tpu.dma_semaphore, #tpu.memory_space<semaphore_mem>>
      tpu.enqueue_dma source(%arg6 : memref<16xf32, #tpu.memory_space<hbm>>) target(%arg14 : memref<16xf32, #tpu.memory_space<vmem>>) target_semaphore(%run_scoped3A : memref<!tpu.dma_semaphore, #tpu.memory_space<semaphore_mem>>)
      tpu.wait_dma2 semaphore(%run_scoped3A : memref<!tpu.dma_semaphore, #tpu.memory_space<semaphore_mem>>) src(%arg6 : memref<16xf32, #tpu.memory_space<hbm>>) dst(%arg14 : memref<16xf32, #tpu.memory_space<vmem>>)
      tpu.yield
    }) : () -> ()
    %get3A = arith.constant 0 : index
    %get3A_1 = tpu.vector_load %arg14[%get3A] {strides = array<i32>} : memref<16xf32, #tpu.memory_space<vmem>>, vector<16xf32>,
    %get3A_2 = vector.shape_cast %get3A_1 : vector<16xf32> to vector<16xf32>
    %broadcast_in_dim3A = arith.constant 0.000000e+00 : f32
    %broadcast_in_dim3A_3 = vector.broadcast %broadcast_in_dim3A : f32 to vector<16xf32>
    %scan3A = arith.constant 0 : i32
    %scan3A_4 = arith.constant 0 : i32
    %scan3A_5 = arith.constant 80 : i32
    %scan3A_6 = arith.addi %scan3A_4, %scan3A_5 : i32
    %scan3A_7 = arith.constant 1 : i32
    %scan3A_8 = scf.for %scan3A_36 = %scan3A_4 to %scan3A_6 step %scan3A_7 iter_args(%scan3A_37 = %scan3A) -> (i32)  : i32 {
      %swap3A = arith.index_cast %scan3A_36 : i32 to index
      %swap3A_38 = arith.constant 0 : index
      %swap3A_39 = tpu.vector_load %arg13[%swap3A, %swap3A_38] {strides = array<i32>} : memref<80x144xf32, #tpu.memory_space<vmem>>, vector<1x16xf32>,
      %swap3A_40 = vector.shape_cast %swap3A_39 : vector<1x16xf32> to vector<16xf32>
      %swap3A_41 = vector.shape_cast %broadcast_in_dim3A_3 : vector<16xf32> to vector<1x16xf32>
      tpu.vector_store %arg13[%swap3A, %swap3A_38], %swap3A_41 {strides = array<i32>} : memref<80x144xf32, #tpu.memory_space<vmem>>, vector<1x16xf32>,
      %swap3A_42 = arith.index_cast %scan3A_36 : i32 to index
      %swap3A_43 = arith.constant 16 : index
      %swap3A_44 = tpu.vector_load %arg13[%swap3A_42, %swap3A_43] {strides = array<i32>} : memref<80x144xf32, #tpu.memory_space<vmem>>, vector<1x16xf32>,
      %swap3A_45 = vector.shape_cast %swap3A_44 : vector<1x16xf32> to vector<16xf32>
      %swap3A_46 = vector.shape_cast %broadcast_in_dim3A_3 : vector<16xf32> to vector<1x16xf32>
      tpu.vector_store %arg13[%swap3A_42, %swap3A_43], %swap3A_46 {strides = array<i32>} : memref<80x144xf32, #tpu.memory_space<vmem>>, vector<1x16xf32>,
      %swap3A_47 = arith.index_cast %scan3A_36 : i32 to index
      %swap3A_48 = arith.constant 32 : index
      %swap3A_49 = tpu.vector_load %arg13[%swap3A_47, %swap3A_48] {strides = array<i32>} : memref<80x144xf32, #tpu.memory_space<vmem>>, vector<1x16xf32>,
      %swap3A_50 = vector.shape_cast %swap3A_49 : vector<1x16xf32> to vector<16xf32>
      %swap3A_51 = vector.shape_cast %broadcast_in_dim3A_3 : vector<16xf32> to vector<1x16xf32>
      tpu.vector_store %arg13[%swap3A_47, %swap3A_48], %swap3A_51 {strides = array<i32>} : memref<80x144xf32, #tpu.memory_space<vmem>>, vector<1x16xf32>,
      %swap3A_52 = arith.index_cast %scan3A_36 : i32 to index
      %swap3A_53 = arith.constant 48 : index
      %swap3A_54 = tpu.vector_load %arg13[%swap3A_52, %swap3A_53] {strides = array<i32>} : memref<80x144xf32, #tpu.memory_space<vmem>>, vector<1x16xf32>,
      %swap3A_55 = vector.shape_cast %swap3A_54 : vector<1x16xf32> to vector<16xf32>
      %swap3A_56 = vector.shape_cast %broadcast_in_dim3A_3 : vector<16xf32> to vector<1x16xf32>
      tpu.vector_store %arg13[%swap3A_52, %swap3A_53], %swap3A_56 {strides = array<i32>} : memref<80x144xf32, #tpu.memory_space<vmem>>, vector<1x16xf32>,
      %swap3A_57 = arith.index_cast %scan3A_36 : i32 to index
      %swap3A_58 = arith.constant 64 : index
      %swap3A_59 = tpu.vector_load %arg13[%swap3A_57, %swap3A_58] {strides = array<i32>} : memref<80x144xf32, #tpu.memory_space<vmem>>, vector<1x16xf32>,
      %swap3A_60 = vector.shape_cast %swap3A_59 : vector<1x16xf32> to vector<16xf32>
      %swap3A_61 = vector.shape_cast %broadcast_in_dim3A_3 : vector<16xf32> to vector<1x16xf32>
      tpu.vector_store %arg13[%swap3A_57, %swap3A_58], %swap3A_61 {strides = array<i32>} : memref<80x144xf32, #tpu.memory_space<vmem>>, vector<1x16xf32>,
      %swap3A_62 = arith.index_cast %scan3A_36 : i32 to index
      %swap3A_63 = arith.constant 80 : index
      %swap3A_64 = tpu.vector_load %arg13[%swap3A_62, %swap3A_63] {strides = array<i32>} : memref<80x144xf32, #tpu.memory_space<vmem>>, vector<1x16xf32>,
      %swap3A_65 = vector.shape_cast %swap3A_64 : vector<1x16xf32> to vector<16xf32>
      %swap3A_66 = vector.shape_cast %broadcast_in_dim3A_3 : vector<16xf32> to vector<1x16xf32>
      tpu.vector_store %arg13[%swap3A_62, %swap3A_63], %swap3A_66 {strides = array<i32>} : memref<80x144xf32, #tpu.memory_space<vmem>>, vector<1x16xf32>,
      %swap3A_67 = arith.index_cast %scan3A_36 : i32 to index
      %swap3A_68 = arith.constant 96 : index
      %swap3A_69 = tpu.vector_load %arg13[%swap3A_67, %swap3A_68] {strides = array<i32>} : memref<80x144xf32, #tpu.memory_space<vmem>>, vector<1x16xf32>,
      %swap3A_70 = vector.shape_cast %swap3A_69 : vector<1x16xf32> to vector<16xf32>
      %swap3A_71 = vector.shape_cast %broadcast_in_dim3A_3 : vector<16xf32> to vector<1x16xf32>
      tpu.vector_store %arg13[%swap3A_67, %swap3A_68], %swap3A_71 {strides = array<i32>} : memref<80x144xf32, #tpu.memory_space<vmem>>, vector<1x16xf32>,
      %swap3A_72 = arith.index_cast %scan3A_36 : i32 to index
      %swap3A_73 = arith.constant 112 : index
      %swap3A_74 = tpu.vector_load %arg13[%swap3A_72, %swap3A_73] {strides = array<i32>} : memref<80x144xf32, #tpu.memory_space<vmem>>, vector<1x16xf32>,
      %swap3A_75 = vector.shape_cast %swap3A_74 : vector<1x16xf32> to vector<16xf32>
      %swap3A_76 = vector.shape_cast %broadcast_in_dim3A_3 : vector<16xf32> to vector<1x16xf32>
      tpu.vector_store %arg13[%swap3A_72, %swap3A_73], %swap3A_76 {strides = array<i32>} : memref<80x144xf32, #tpu.memory_space<vmem>>, vector<1x16xf32>,
      %swap3A_77 = arith.index_cast %scan3A_36 : i32 to index
      %swap3A_78 = arith.constant 128 : index
      %swap3A_79 = tpu.vector_load %arg13[%swap3A_77, %swap3A_78] {strides = array<i32>} : memref<80x144xf32, #tpu.memory_space<vmem>>, vector<1x16xf32>,
      %swap3A_80 = vector.shape_cast %swap3A_79 : vector<1x16xf32> to vector<16xf32>
      %swap3A_81 = vector.shape_cast %broadcast_in_dim3A_3 : vector<16xf32> to vector<1x16xf32>
      tpu.vector_store %arg13[%swap3A_77, %swap3A_78], %swap3A_81 {strides = array<i32>} : memref<80x144xf32, #tpu.memory_space<vmem>>, vector<1x16xf32>,
      %scan3A_82 = arith.constant 0 : i32
      scf.yield %scan3A_82 : i32
    }
    %scan3A_9 = arith.constant 80 : i32
    %mul3A_10 = arith.constant 640 : i32
    %mul3A_11 = arith.muli %arg1, %mul3A_10 : i32
    %add3A_12 = arith.constant 0 : i32
    %add3A_13 = arith.addi %mul3A_11, %add3A_12 : i32
    "tpu.region"() ({
      %run_scoped3A = tpu.sem_alloc : memref<!tpu.dma_semaphore, #tpu.memory_space<semaphore_mem>>
      %dma_start3A = arith.constant 0 : i32
      %dma_start3A_36 = tpu.memref_slice %arg8[%add3A_13, %dma_start3A] : memref<10240x144xf32, #tpu.memory_space<vmem_shared>> -> memref<80x144xf32, #tpu.memory_space<vmem_shared>>
      %dma_start3A_37 = arith.constant 0 : i32
      %dma_start3A_38 = tpu.memref_slice %arg8[%add3A_13, %dma_start3A_37] : memref<10240x144xf32, #tpu.memory_space<vmem_shared>> -> memref<80x144xf32, #tpu.memory_space<vmem_shared>>
      tpu.enqueue_dma source(%arg13 : memref<80x144xf32, #tpu.memory_space<vmem>>) target(%dma_start3A_38 : memref<80x144xf32, #tpu.memory_space<vmem_shared>>) target_semaphore(%run_scoped3A : memref<!tpu.dma_semaphore, #tpu.memory_space<semaphore_mem>>)
      %dma_wait3A = arith.constant 0 : i32
      %dma_wait3A_39 = tpu.memref_slice %arg8[%add3A_13, %dma_wait3A] : memref<10240x144xf32, #tpu.memory_space<vmem_shared>> -> memref<80x144xf32, #tpu.memory_space<vmem_shared>>
      %dma_wait3A_40 = arith.constant 0 : i32
      %dma_wait3A_41 = tpu.memref_slice %arg8[%add3A_13, %dma_wait3A_40] : memref<10240x144xf32, #tpu.memory_space<vmem_shared>> -> memref<80x144xf32, #tpu.memory_space<vmem_shared>>
      tpu.wait_dma2 semaphore(%run_scoped3A : memref<!tpu.dma_semaphore, #tpu.memory_space<semaphore_mem>>) src(%arg13 : memref<80x144xf32, #tpu.memory_space<vmem>>) dst(%dma_wait3A_41 : memref<80x144xf32, #tpu.memory_space<vmem_shared>>)
      tpu.yield
    }) : () -> ()
    %add3A_14 = arith.constant 80 : i32
    %add3A_15 = arith.addi %mul3A_11, %add3A_14 : i32
    "tpu.region"() ({
      %run_scoped3A = tpu.sem_alloc : memref<!tpu.dma_semaphore, #tpu.memory_space<semaphore_mem>>
      %dma_start3A = arith.constant 0 : i32
      %dma_start3A_36 = tpu.memref_slice %arg8[%add3A_15, %dma_start3A] : memref<10240x144xf32, #tpu.memory_space<vmem_shared>> -> memref<80x144xf32, #tpu.memory_space<vmem_shared>>
      %dma_start3A_37 = arith.constant 0 : i32
      %dma_start3A_38 = tpu.memref_slice %arg8[%add3A_15, %dma_start3A_37] : memref<10240x144xf32, #tpu.memory_space<vmem_shared>> -> memref<80x144xf32, #tpu.memory_space<vmem_shared>>
      tpu.enqueue_dma source(%arg13 : memref<80x144xf32, #tpu.memory_space<vmem>>) target(%dma_start3A_38 : memref<80x144xf32, #tpu.memory_space<vmem_shared>>) target_semaphore(%run_scoped3A : memref<!tpu.dma_semaphore, #tpu.memory_space<semaphore_mem>>)
      %dma_wait3A = arith.constant 0 : i32
      %dma_wait3A_39 = tpu.memref_slice %arg8[%add3A_15, %dma_wait3A] : memref<10240x144xf32, #tpu.memory_space<vmem_shared>> -> memref<80x144xf32, #tpu.memory_space<vmem_shared>>
      %dma_wait3A_40 = arith.constant 0 : i32
      %dma_wait3A_41 = tpu.memref_slice %arg8[%add3A_15, %dma_wait3A_40] : memref<10240x144xf32, #tpu.memory_space<vmem_shared>> -> memref<80x144xf32, #tpu.memory_space<vmem_shared>>
      tpu.wait_dma2 semaphore(%run_scoped3A : memref<!tpu.dma_semaphore, #tpu.memory_space<semaphore_mem>>) src(%arg13 : memref<80x144xf32, #tpu.memory_space<vmem>>) dst(%dma_wait3A_41 : memref<80x144xf32, #tpu.memory_space<vmem_shared>>)
      tpu.yield
    }) : () -> ()
    %add3A_16 = arith.constant 160 : i32
    %add3A_17 = arith.addi %mul3A_11, %add3A_16 : i32
    "tpu.region"() ({
      %run_scoped3A = tpu.sem_alloc : memref<!tpu.dma_semaphore, #tpu.memory_space<semaphore_mem>>
      %dma_start3A = arith.constant 0 : i32
      %dma_start3A_36 = tpu.memref_slice %arg8[%add3A_17, %dma_start3A] : memref<10240x144xf32, #tpu.memory_space<vmem_shared>> -> memref<80x144xf32, #tpu.memory_space<vmem_shared>>
      %dma_start3A_37 = arith.constant 0 : i32
      %dma_start3A_38 = tpu.memref_slice %arg8[%add3A_17, %dma_start3A_37] : memref<10240x144xf32, #tpu.memory_space<vmem_shared>> -> memref<80x144xf32, #tpu.memory_space<vmem_shared>>
      tpu.enqueue_dma source(%arg13 : memref<80x144xf32, #tpu.memory_space<vmem>>) target(%dma_start3A_38 : memref<80x144xf32, #tpu.memory_space<vmem_shared>>) target_semaphore(%run_scoped3A : memref<!tpu.dma_semaphore, #tpu.memory_space<semaphore_mem>>)
      %dma_wait3A = arith.constant 0 : i32
      %dma_wait3A_39 = tpu.memref_slice %arg8[%add3A_17, %dma_wait3A] : memref<10240x144xf32, #tpu.memory_space<vmem_shared>> -> memref<80x144xf32, #tpu.memory_space<vmem_shared>>
      %dma_wait3A_40 = arith.constant 0 : i32
      %dma_wait3A_41 = tpu.memref_slice %arg8[%add3A_17, %dma_wait3A_40] : memref<10240x144xf32, #tpu.memory_space<vmem_shared>> -> memref<80x144xf32, #tpu.memory_space<vmem_shared>>
      tpu.wait_dma2 semaphore(%run_scoped3A : memref<!tpu.dma_semaphore, #tpu.memory_space<semaphore_mem>>) src(%arg13 : memref<80x144xf32, #tpu.memory_space<vmem>>) dst(%dma_wait3A_41 : memref<80x144xf32, #tpu.memory_space<vmem_shared>>)
      tpu.yield
    }) : () -> ()
    %add3A_18 = arith.constant 240 : i32
    %add3A_19 = arith.addi %mul3A_11, %add3A_18 : i32
    "tpu.region"() ({
      %run_scoped3A = tpu.sem_alloc : memref<!tpu.dma_semaphore, #tpu.memory_space<semaphore_mem>>
      %dma_start3A = arith.constant 0 : i32
      %dma_start3A_36 = tpu.memref_slice %arg8[%add3A_19, %dma_start3A] : memref<10240x144xf32, #tpu.memory_space<vmem_shared>> -> memref<80x144xf32, #tpu.memory_space<vmem_shared>>
      %dma_start3A_37 = arith.constant 0 : i32
      %dma_start3A_38 = tpu.memref_slice %arg8[%add3A_19, %dma_start3A_37] : memref<10240x144xf32, #tpu.memory_space<vmem_shared>> -> memref<80x144xf32, #tpu.memory_space<vmem_shared>>
      tpu.enqueue_dma source(%arg13 : memref<80x144xf32, #tpu.memory_space<vmem>>) target(%dma_start3A_38 : memref<80x144xf32, #tpu.memory_space<vmem_shared>>) target_semaphore(%run_scoped3A : memref<!tpu.dma_semaphore, #tpu.memory_space<semaphore_mem>>)
      %dma_wait3A = arith.constant 0 : i32
      %dma_wait3A_39 = tpu.memref_slice %arg8[%add3A_19, %dma_wait3A] : memref<10240x144xf32, #tpu.memory_space<vmem_shared>> -> memref<80x144xf32, #tpu.memory_space<vmem_shared>>
      %dma_wait3A_40 = arith.constant 0 : i32
      %dma_wait3A_41 = tpu.memref_slice %arg8[%add3A_19, %dma_wait3A_40] : memref<10240x144xf32, #tpu.memory_space<vmem_shared>> -> memref<80x144xf32, #tpu.memory_space<vmem_shared>>
      tpu.wait_dma2 semaphore(%run_scoped3A : memref<!tpu.dma_semaphore, #tpu.memory_space<semaphore_mem>>) src(%arg13 : memref<80x144xf32, #tpu.memory_space<vmem>>) dst(%dma_wait3A_41 : memref<80x144xf32, #tpu.memory_space<vmem_shared>>)
      tpu.yield
    }) : () -> ()
    %add3A_20 = arith.constant 320 : i32
    %add3A_21 = arith.addi %mul3A_11, %add3A_20 : i32
    "tpu.region"() ({
      %run_scoped3A = tpu.sem_alloc : memref<!tpu.dma_semaphore, #tpu.memory_space<semaphore_mem>>
      %dma_start3A = arith.constant 0 : i32
      %dma_start3A_36 = tpu.memref_slice %arg8[%add3A_21, %dma_start3A] : memref<10240x144xf32, #tpu.memory_space<vmem_shared>> -> memref<80x144xf32, #tpu.memory_space<vmem_shared>>
      %dma_start3A_37 = arith.constant 0 : i32
      %dma_start3A_38 = tpu.memref_slice %arg8[%add3A_21, %dma_start3A_37] : memref<10240x144xf32, #tpu.memory_space<vmem_shared>> -> memref<80x144xf32, #tpu.memory_space<vmem_shared>>
      tpu.enqueue_dma source(%arg13 : memref<80x144xf32, #tpu.memory_space<vmem>>) target(%dma_start3A_38 : memref<80x144xf32, #tpu.memory_space<vmem_shared>>) target_semaphore(%run_scoped3A : memref<!tpu.dma_semaphore, #tpu.memory_space<semaphore_mem>>)
      %dma_wait3A = arith.constant 0 : i32
      %dma_wait3A_39 = tpu.memref_slice %arg8[%add3A_21, %dma_wait3A] : memref<10240x144xf32, #tpu.memory_space<vmem_shared>> -> memref<80x144xf32, #tpu.memory_space<vmem_shared>>
      %dma_wait3A_40 = arith.constant 0 : i32
      %dma_wait3A_41 = tpu.memref_slice %arg8[%add3A_21, %dma_wait3A_40] : memref<10240x144xf32, #tpu.memory_space<vmem_shared>> -> memref<80x144xf32, #tpu.memory_space<vmem_shared>>
      tpu.wait_dma2 semaphore(%run_scoped3A : memref<!tpu.dma_semaphore, #tpu.memory_space<semaphore_mem>>) src(%arg13 : memref<80x144xf32, #tpu.memory_space<vmem>>) dst(%dma_wait3A_41 : memref<80x144xf32, #tpu.memory_space<vmem_shared>>)
      tpu.yield
    }) : () -> ()
    %add3A_22 = arith.constant 400 : i32
    %add3A_23 = arith.addi %mul3A_11, %add3A_22 : i32
    "tpu.region"() ({
      %run_scoped3A = tpu.sem_alloc : memref<!tpu.dma_semaphore, #tpu.memory_space<semaphore_mem>>
      %dma_start3A = arith.constant 0 : i32
      %dma_start3A_36 = tpu.memref_slice %arg8[%add3A_23, %dma_start3A] : memref<10240x144xf32, #tpu.memory_space<vmem_shared>> -> memref<80x144xf32, #tpu.memory_space<vmem_shared>>
      %dma_start3A_37 = arith.constant 0 : i32
      %dma_start3A_38 = tpu.memref_slice %arg8[%add3A_23, %dma_start3A_37] : memref<10240x144xf32, #tpu.memory_space<vmem_shared>> -> memref<80x144xf32, #tpu.memory_space<vmem_shared>>
      tpu.enqueue_dma source(%arg13 : memref<80x144xf32, #tpu.memory_space<vmem>>) target(%dma_start3A_38 : memref<80x144xf32, #tpu.memory_space<vmem_shared>>) target_semaphore(%run_scoped3A : memref<!tpu.dma_semaphore, #tpu.memory_space<semaphore_mem>>)
      %dma_wait3A = arith.constant 0 : i32
      %dma_wait3A_39 = tpu.memref_slice %arg8[%add3A_23, %dma_wait3A] : memref<10240x144xf32, #tpu.memory_space<vmem_shared>> -> memref<80x144xf32, #tpu.memory_space<vmem_shared>>
      %dma_wait3A_40 = arith.constant 0 : i32
      %dma_wait3A_41 = tpu.memref_slice %arg8[%add3A_23, %dma_wait3A_40] : memref<10240x144xf32, #tpu.memory_space<vmem_shared>> -> memref<80x144xf32, #tpu.memory_space<vmem_shared>>
      tpu.wait_dma2 semaphore(%run_scoped3A : memref<!tpu.dma_semaphore, #tpu.memory_space<semaphore_mem>>) src(%arg13 : memref<80x144xf32, #tpu.memory_space<vmem>>) dst(%dma_wait3A_41 : memref<80x144xf32, #tpu.memory_space<vmem_shared>>)
      tpu.yield
    }) : () -> ()
    %add3A_24 = arith.constant 480 : i32
    %add3A_25 = arith.addi %mul3A_11, %add3A_24 : i32
    "tpu.region"() ({
      %run_scoped3A = tpu.sem_alloc : memref<!tpu.dma_semaphore, #tpu.memory_space<semaphore_mem>>
      %dma_start3A = arith.constant 0 : i32
      %dma_start3A_36 = tpu.memref_slice %arg8[%add3A_25, %dma_start3A] : memref<10240x144xf32, #tpu.memory_space<vmem_shared>> -> memref<80x144xf32, #tpu.memory_space<vmem_shared>>
      %dma_start3A_37 = arith.constant 0 : i32
      %dma_start3A_38 = tpu.memref_slice %arg8[%add3A_25, %dma_start3A_37] : memref<10240x144xf32, #tpu.memory_space<vmem_shared>> -> memref<80x144xf32, #tpu.memory_space<vmem_shared>>
      tpu.enqueue_dma source(%arg13 : memref<80x144xf32, #tpu.memory_space<vmem>>) target(%dma_start3A_38 : memref<80x144xf32, #tpu.memory_space<vmem_shared>>) target_semaphore(%run_scoped3A : memref<!tpu.dma_semaphore, #tpu.memory_space<semaphore_mem>>)
      %dma_wait3A = arith.constant 0 : i32
      %dma_wait3A_39 = tpu.memref_slice %arg8[%add3A_25, %dma_wait3A] : memref<10240x144xf32, #tpu.memory_space<vmem_shared>> -> memref<80x144xf32, #tpu.memory_space<vmem_shared>>
      %dma_wait3A_40 = arith.constant 0 : i32
      %dma_wait3A_41 = tpu.memref_slice %arg8[%add3A_25, %dma_wait3A_40] : memref<10240x144xf32, #tpu.memory_space<vmem_shared>> -> memref<80x144xf32, #tpu.memory_space<vmem_shared>>
      tpu.wait_dma2 semaphore(%run_scoped3A : memref<!tpu.dma_semaphore, #tpu.memory_space<semaphore_mem>>) src(%arg13 : memref<80x144xf32, #tpu.memory_space<vmem>>) dst(%dma_wait3A_41 : memref<80x144xf32, #tpu.memory_space<vmem_shared>>)
      tpu.yield
    }) : () -> ()
    %add3A_26 = arith.constant 560 : i32
    %add3A_27 = arith.addi %mul3A_11, %add3A_26 : i32
    "tpu.region"() ({
      %run_scoped3A = tpu.sem_alloc : memref<!tpu.dma_semaphore, #tpu.memory_space<semaphore_mem>>
      %dma_start3A = arith.constant 0 : i32
      %dma_start3A_36 = tpu.memref_slice %arg8[%add3A_27, %dma_start3A] : memref<10240x144xf32, #tpu.memory_space<vmem_shared>> -> memref<80x144xf32, #tpu.memory_space<vmem_shared>>
      %dma_start3A_37 = arith.constant 0 : i32
      %dma_start3A_38 = tpu.memref_slice %arg8[%add3A_27, %dma_start3A_37] : memref<10240x144xf32, #tpu.memory_space<vmem_shared>> -> memref<80x144xf32, #tpu.memory_space<vmem_shared>>
      tpu.enqueue_dma source(%arg13 : memref<80x144xf32, #tpu.memory_space<vmem>>) target(%dma_start3A_38 : memref<80x144xf32, #tpu.memory_space<vmem_shared>>) target_semaphore(%run_scoped3A : memref<!tpu.dma_semaphore, #tpu.memory_space<semaphore_mem>>)
      %dma_wait3A = arith.constant 0 : i32
      %dma_wait3A_39 = tpu.memref_slice %arg8[%add3A_27, %dma_wait3A] : memref<10240x144xf32, #tpu.memory_space<vmem_shared>> -> memref<80x144xf32, #tpu.memory_space<vmem_shared>>
      %dma_wait3A_40 = arith.constant 0 : i32
      %dma_wait3A_41 = tpu.memref_slice %arg8[%add3A_27, %dma_wait3A_40] : memref<10240x144xf32, #tpu.memory_space<vmem_shared>> -> memref<80x144xf32, #tpu.memory_space<vmem_shared>>
      tpu.wait_dma2 semaphore(%run_scoped3A : memref<!tpu.dma_semaphore, #tpu.memory_space<semaphore_mem>>) src(%arg13 : memref<80x144xf32, #tpu.memory_space<vmem>>) dst(%dma_wait3A_41 : memref<80x144xf32, #tpu.memory_space<vmem_shared>>)
      tpu.yield
    }) : () -> ()
    %barrier3A = arith.constant 0 : index
    tpu.barrier barrier_id(%barrier3A)
    %scan3A_28 = arith.constant 0 : i32
    %scan3A_29 = arith.constant 0 : i32
    %scan3A_30 = arith.constant 125 : i32
    %scan3A_31 = arith.addi %scan3A_29, %scan3A_30 : i32
    %scan3A_32 = arith.constant 1 : i32
    %scan3A_33 = scf.for %scan3A_36 = %scan3A_29 to %scan3A_31 step %scan3A_32 iter_args(%scan3A_37 = %scan3A_28) -> (i32)  : i32 {
      %mul3A_38 = arith.constant 10000 : i32
      %mul3A_39 = arith.muli %add3A, %mul3A_38 : i32
      %mul3A_40 = arith.constant 80 : i32
      %mul3A_41 = arith.muli %scan3A_36, %mul3A_40 : i32
      %add3A_42 = arith.addi %mul3A_39, %mul3A_41 : i32
      "tpu.region"() ({
        %run_scoped3A_65 = tpu.sem_alloc : memref<!tpu.dma_semaphore, #tpu.memory_space<semaphore_mem>>
        %dma_start3A_66 = tpu.memref_slice %arg2[%add3A_42] : memref<320000xi32, #tpu.memory_space<hbm>> -> memref<80xi32, #tpu.memory_space<hbm>>
        %dma_start3A_67 = tpu.memref_slice %arg2[%add3A_42] : memref<320000xi32, #tpu.memory_space<hbm>> -> memref<80xi32, #tpu.memory_space<hbm>>
        tpu.enqueue_dma source(%dma_start3A_67 : memref<80xi32, #tpu.memory_space<hbm>>) target(%arg9 : memref<80xi32, #tpu.memory_space<vmem>>) target_semaphore(%run_scoped3A_65 : memref<!tpu.dma_semaphore, #tpu.memory_space<semaphore_mem>>)
        %dma_wait3A_68 = tpu.memref_slice %arg2[%add3A_42] : memref<320000xi32, #tpu.memory_space<hbm>> -> memref<80xi32, #tpu.memory_space<hbm>>
        %dma_wait3A_69 = tpu.memref_slice %arg2[%add3A_42] : memref<320000xi32, #tpu.memory_space<hbm>> -> memref<80xi32, #tpu.memory_space<hbm>>
        tpu.wait_dma2 semaphore(%run_scoped3A_65 : memref<!tpu.dma_semaphore, #tpu.memory_space<semaphore_mem>>) src(%dma_wait3A_69 : memref<80xi32, #tpu.memory_space<hbm>>) dst(%arg9 : memref<80xi32, #tpu.memory_space<vmem>>)
        tpu.yield
      }) : () -> ()
      %run_scoped3A = arith.constant 0 : i32
      "tpu.region"() ({
        %run_scoped3A_65 = tpu.sem_alloc : memref<!tpu.dma_semaphore, #tpu.memory_space<semaphore_mem>>
        %dma_start3A_66 = arith.constant 0 : i32
        %dma_start3A_67 = tpu.memref_slice %arg10[%run_scoped3A, %dma_start3A_66] : memref<1x80xi32, #tpu.memory_space<vmem>> -> memref<1x80xi32, #tpu.memory_space<vmem>>
        %dma_start3A_68 = tpu.memref_squeeze %dma_start3A_67 : memref<1x80xi32, #tpu.memory_space<vmem>> -> memref<80xi32, #tpu.memory_space<vmem>>
        %dma_start3A_69 = tpu.memref_slice %arg3[%add3A_42] : memref<320000xi32, #tpu.memory_space<hbm>> -> memref<80xi32, #tpu.memory_space<hbm>>
        %dma_start3A_70 = arith.constant 0 : i32
        %dma_start3A_71 = tpu.memref_slice %arg10[%run_scoped3A, %dma_start3A_70] : memref<1x80xi32, #tpu.memory_space<vmem>> -> memref<1x80xi32, #tpu.memory_space<vmem>>
        %dma_start3A_72 = tpu.memref_squeeze %dma_start3A_71 : memref<1x80xi32, #tpu.memory_space<vmem>> -> memref<80xi32, #tpu.memory_space<vmem>>
        %dma_start3A_73 = tpu.memref_slice %arg3[%add3A_42] : memref<320000xi32, #tpu.memory_space<hbm>> -> memref<80xi32, #tpu.memory_space<hbm>>
        tpu.enqueue_dma source(%dma_start3A_73 : memref<80xi32, #tpu.memory_space<hbm>>) target(%dma_start3A_72 : memref<80xi32, #tpu.memory_space<vmem>>) target_semaphore(%run_scoped3A_65 : memref<!tpu.dma_semaphore, #tpu.memory_space<semaphore_mem>>)
        %dma_wait3A_74 = arith.constant 0 : i32
        %dma_wait3A_75 = tpu.memref_slice %arg10[%run_scoped3A, %dma_wait3A_74] : memref<1x80xi32, #tpu.memory_space<vmem>> -> memref<1x80xi32, #tpu.memory_space<vmem>>
        %dma_wait3A_76 = tpu.memref_squeeze %dma_wait3A_75 : memref<1x80xi32, #tpu.memory_space<vmem>> -> memref<80xi32, #tpu.memory_space<vmem>>
        %dma_wait3A_77 = tpu.memref_slice %arg3[%add3A_42] : memref<320000xi32, #tpu.memory_space<hbm>> -> memref<80xi32, #tpu.memory_space<hbm>>
        %dma_wait3A_78 = arith.constant 0 : i32
        %dma_wait3A_79 = tpu.memref_slice %arg10[%run_scoped3A, %dma_wait3A_78] : memref<1x80xi32, #tpu.memory_space<vmem>> -> memref<1x80xi32, #tpu.memory_space<vmem>>
        %dma_wait3A_80 = tpu.memref_squeeze %dma_wait3A_79 : memref<1x80xi32, #tpu.memory_space<vmem>> -> memref<80xi32, #tpu.memory_space<vmem>>
        %dma_wait3A_81 = tpu.memref_slice %arg3[%add3A_42] : memref<320000xi32, #tpu.memory_space<hbm>> -> memref<80xi32, #tpu.memory_space<hbm>>
        tpu.wait_dma2 semaphore(%run_scoped3A_65 : memref<!tpu.dma_semaphore, #tpu.memory_space<semaphore_mem>>) src(%dma_wait3A_81 : memref<80xi32, #tpu.memory_space<hbm>>) dst(%dma_wait3A_80 : memref<80xi32, #tpu.memory_space<vmem>>)
        tpu.yield
      }) : () -> ()
      %dma_start3A = arith.constant 0 : i32
      %dma_start3A_43 = arith.constant 0 : i32
      %dma_start3A_44 = tpu.memref_slice %arg4[%dma_start3A, %dma_start3A_43] : memref<10000x144xf32, #tpu.memory_space<hbm>> -> memref<10000x144xf32, #tpu.memory_space<hbm>>
      tpu.enqueue_indirect_dma source(%dma_start3A_44 : memref<10000x144xf32, #tpu.memory_space<hbm>>) target(%arg11 : memref<80x144xf32, #tpu.memory_space<vmem>>) offsets(%arg9 : memref<80xi32, #tpu.memory_space<vmem>>) semaphore(%arg15 : memref<!tpu.dma_semaphore, #tpu.memory_space<semaphore_mem>>)
      %dma_start3A_45 = arith.constant 0 : i32
      %dma_start3A_46 = arith.constant 0 : i32
      %dma_start3A_47 = tpu.memref_slice %arg10[%dma_start3A_45, %dma_start3A_46] : memref<1x80xi32, #tpu.memory_space<vmem>> -> memref<1x80xi32, #tpu.memory_space<vmem>>
      %dma_start3A_48 = tpu.memref_squeeze %dma_start3A_47 : memref<1x80xi32, #tpu.memory_space<vmem>> -> memref<80xi32, #tpu.memory_space<vmem>>
      %dma_start3A_49 = arith.constant 0 : i32
      %dma_start3A_50 = arith.constant 0 : i32
      %dma_start3A_51 = tpu.memref_slice %arg5[%dma_start3A_49, %dma_start3A_50] : memref<10000x16xf32, #tpu.memory_space<hbm>> -> memref<10000x16xf32, #tpu.memory_space<hbm>>
      tpu.enqueue_indirect_dma source(%dma_start3A_51 : memref<10000x16xf32, #tpu.memory_space<hbm>>) target(%arg12 : memref<80x16xf32, #tpu.memory_space<vmem>>) offsets(%dma_start3A_48 : memref<80xi32, #tpu.memory_space<vmem>>) semaphore(%arg16 : memref<!tpu.dma_semaphore, #tpu.memory_space<semaphore_mem>>)
      %dma_wait3A = arith.constant 0 : i32
      %dma_wait3A_52 = arith.constant 0 : i32
      %dma_wait3A_53 = tpu.memref_slice %arg4[%dma_wait3A, %dma_wait3A_52] : memref<10000x144xf32, #tpu.memory_space<hbm>> -> memref<10000x144xf32, #tpu.memory_space<hbm>>
      tpu.wait_indirect_dma semaphore(%arg15 : memref<!tpu.dma_semaphore, #tpu.memory_space<semaphore_mem>>) src(%dma_wait3A_53 : memref<10000x144xf32, #tpu.memory_space<hbm>>) dst(%arg11 : memref<80x144xf32, #tpu.memory_space<vmem>>)
      %dma_wait3A_54 = arith.constant 0 : i32
      %dma_wait3A_55 = arith.constant 0 : i32
      %dma_wait3A_56 = tpu.memref_slice %arg10[%dma_wait3A_54, %dma_wait3A_55] : memref<1x80xi32, #tpu.memory_space<vmem>> -> memref<1x80xi32, #tpu.memory_space<vmem>>
      %dma_wait3A_57 = tpu.memref_squeeze %dma_wait3A_56 : memref<1x80xi32, #tpu.memory_space<vmem>> -> memref<80xi32, #tpu.memory_space<vmem>>
      %dma_wait3A_58 = arith.constant 0 : i32
      %dma_wait3A_59 = arith.constant 0 : i32
      %dma_wait3A_60 = tpu.memref_slice %arg5[%dma_wait3A_58, %dma_wait3A_59] : memref<10000x16xf32, #tpu.memory_space<hbm>> -> memref<10000x16xf32, #tpu.memory_space<hbm>>
      tpu.wait_indirect_dma semaphore(%arg16 : memref<!tpu.dma_semaphore, #tpu.memory_space<semaphore_mem>>) src(%dma_wait3A_60 : memref<10000x16xf32, #tpu.memory_space<hbm>>) dst(%arg12 : memref<80x16xf32, #tpu.memory_space<vmem>>)
      %parallel_loop3A = arith.constant 0 : i32
      %parallel_loop3A_61 = arith.constant 80 : i32
      %parallel_loop3A_62 = arith.constant 1 : i32
      scf.for %parallel_loop3A_65 = %parallel_loop3A to %parallel_loop3A_61 step %parallel_loop3A_62  : i32 {
        %parallel_loop3A_66 = arith.index_cast %parallel_loop3A_65 : i32 to index
        %parallel_loop3A_67 = arith.constant 0 : index
        %parallel_loop3A_68 = tpu.vector_load %arg12[%parallel_loop3A_66, %parallel_loop3A_67] {strides = array<i32>} : memref<80x16xf32, #tpu.memory_space<vmem>>, vector<1x16xf32>,
        %parallel_loop3A_69 = vector.shape_cast %parallel_loop3A_68 : vector<1x16xf32> to vector<16xf32>
        %parallel_loop3A_70 = arith.index_cast %parallel_loop3A_65 : i32 to index
        %parallel_loop3A_71 = arith.constant 128 : index
        %parallel_loop3A_72 = tpu.vector_load %arg11[%parallel_loop3A_70, %parallel_loop3A_71] {strides = array<i32>} : memref<80x144xf32, #tpu.memory_space<vmem>>, vector<1x16xf32>,
        %parallel_loop3A_73 = vector.shape_cast %parallel_loop3A_72 : vector<1x16xf32> to vector<16xf32>
        %parallel_loop3A_74 = arith.addf %parallel_loop3A_73, %parallel_loop3A_69 : vector<16xf32>
        %parallel_loop3A_75 = arith.constant 0.000000e+00 : f32
        %parallel_loop3A_76 = vector.broadcast %parallel_loop3A_75 : f32 to vector<16xf32>
        %parallel_loop3A_77 = arith.cmpf ogt, %parallel_loop3A_74, %parallel_loop3A_76 : vector<16xf32>
        %parallel_loop3A_78 = arith.constant 2.000000e-01 : f32
        %parallel_loop3A_79 = vector.broadcast %parallel_loop3A_78 : f32 to vector<16xf32>
        %parallel_loop3A_80 = arith.mulf %parallel_loop3A_74, %parallel_loop3A_79 : vector<16xf32>
        %parallel_loop3A_81 = arith.select %parallel_loop3A_77, %parallel_loop3A_74, %parallel_loop3A_80 : vector<16xi1>, vector<16xf32>
        %parallel_loop3A_82 = arith.addf %get3A_2, %parallel_loop3A_69 : vector<16xf32>
        %parallel_loop3A_83 = arith.constant 0.000000e+00 : f32
        %parallel_loop3A_84 = vector.broadcast %parallel_loop3A_83 : f32 to vector<16xf32>
        %parallel_loop3A_85 = arith.cmpf ogt, %parallel_loop3A_82, %parallel_loop3A_84 : vector<16xf32>
        %parallel_loop3A_86 = arith.constant 2.000000e-01 : f32
        %parallel_loop3A_87 = vector.broadcast %parallel_loop3A_86 : f32 to vector<16xf32>
        %parallel_loop3A_88 = arith.mulf %parallel_loop3A_82, %parallel_loop3A_87 : vector<16xf32>
        %parallel_loop3A_89 = arith.select %parallel_loop3A_85, %parallel_loop3A_82, %parallel_loop3A_88 : vector<16xi1>, vector<16xf32>
        %parallel_loop3A_90 = arith.subf %parallel_loop3A_81, %parallel_loop3A_89 : vector<16xf32>
        %parallel_loop3A_91 = math.exp %parallel_loop3A_90 : vector<16xf32>
        %parallel_loop3A_92 = arith.index_cast %parallel_loop3A_65 : i32 to index
        %parallel_loop3A_93 = arith.constant 0 : index
        %parallel_loop3A_94 = tpu.vector_load %arg11[%parallel_loop3A_92, %parallel_loop3A_93] {strides = array<i32>} : memref<80x144xf32, #tpu.memory_space<vmem>>, vector<1x16xf32>,
        %parallel_loop3A_95 = vector.shape_cast %parallel_loop3A_94 : vector<1x16xf32> to vector<16xf32>
        %parallel_loop3A_96 = arith.mulf %parallel_loop3A_95, %parallel_loop3A_91 : vector<16xf32>
        %parallel_loop3A_97 = arith.index_cast %parallel_loop3A_65 : i32 to index
        %parallel_loop3A_98 = arith.constant 0 : index
        %parallel_loop3A_99 = tpu.vector_load %arg13[%parallel_loop3A_97, %parallel_loop3A_98] {strides = array<i32>} : memref<80x144xf32, #tpu.memory_space<vmem>>, vector<1x16xf32>,
        %parallel_loop3A_100 = vector.shape_cast %parallel_loop3A_99 : vector<1x16xf32> to vector<16xf32>
        %parallel_loop3A_101 = vector.shape_cast %parallel_loop3A_96 : vector<16xf32> to vector<1x16xf32>
        tpu.vector_store %arg13[%parallel_loop3A_97, %parallel_loop3A_98], %parallel_loop3A_101 {strides = array<i32>} : memref<80x144xf32, #tpu.memory_space<vmem>>, vector<1x16xf32>,
        %parallel_loop3A_102 = arith.index_cast %parallel_loop3A_65 : i32 to index
        %parallel_loop3A_103 = arith.constant 16 : index
        %parallel_loop3A_104 = tpu.vector_load %arg11[%parallel_loop3A_102, %parallel_loop3A_103] {strides = array<i32>} : memref<80x144xf32, #tpu.memory_space<vmem>>, vector<1x16xf32>,
        %parallel_loop3A_105 = vector.shape_cast %parallel_loop3A_104 : vector<1x16xf32> to vector<16xf32>
        %parallel_loop3A_106 = arith.mulf %parallel_loop3A_105, %parallel_loop3A_91 : vector<16xf32>
        %parallel_loop3A_107 = arith.index_cast %parallel_loop3A_65 : i32 to index
        %parallel_loop3A_108 = arith.constant 16 : index
        %parallel_loop3A_109 = tpu.vector_load %arg13[%parallel_loop3A_107, %parallel_loop3A_108] {strides = array<i32>} : memref<80x144xf32, #tpu.memory_space<vmem>>, vector<1x16xf32>,
        %parallel_loop3A_110 = vector.shape_cast %parallel_loop3A_109 : vector<1x16xf32> to vector<16xf32>
        %parallel_loop3A_111 = vector.shape_cast %parallel_loop3A_106 : vector<16xf32> to vector<1x16xf32>
        tpu.vector_store %arg13[%parallel_loop3A_107, %parallel_loop3A_108], %parallel_loop3A_111 {strides = array<i32>} : memref<80x144xf32, #tpu.memory_space<vmem>>, vector<1x16xf32>,
        %parallel_loop3A_112 = arith.index_cast %parallel_loop3A_65 : i32 to index
        %parallel_loop3A_113 = arith.constant 32 : index
        %parallel_loop3A_114 = tpu.vector_load %arg11[%parallel_loop3A_112, %parallel_loop3A_113] {strides = array<i32>} : memref<80x144xf32, #tpu.memory_space<vmem>>, vector<1x16xf32>,
        %parallel_loop3A_115 = vector.shape_cast %parallel_loop3A_114 : vector<1x16xf32> to vector<16xf32>
        %parallel_loop3A_116 = arith.mulf %parallel_loop3A_115, %parallel_loop3A_91 : vector<16xf32>
        %parallel_loop3A_117 = arith.index_cast %parallel_loop3A_65 : i32 to index
        %parallel_loop3A_118 = arith.constant 32 : index
        %parallel_loop3A_119 = tpu.vector_load %arg13[%parallel_loop3A_117, %parallel_loop3A_118] {strides = array<i32>} : memref<80x144xf32, #tpu.memory_space<vmem>>, vector<1x16xf32>,
        %parallel_loop3A_120 = vector.shape_cast %parallel_loop3A_119 : vector<1x16xf32> to vector<16xf32>
        %parallel_loop3A_121 = vector.shape_cast %parallel_loop3A_116 : vector<16xf32> to vector<1x16xf32>
        tpu.vector_store %arg13[%parallel_loop3A_117, %parallel_loop3A_118], %parallel_loop3A_121 {strides = array<i32>} : memref<80x144xf32, #tpu.memory_space<vmem>>, vector<1x16xf32>,
        %parallel_loop3A_122 = arith.index_cast %parallel_loop3A_65 : i32 to index
        %parallel_loop3A_123 = arith.constant 48 : index
        %parallel_loop3A_124 = tpu.vector_load %arg11[%parallel_loop3A_122, %parallel_loop3A_123] {strides = array<i32>} : memref<80x144xf32, #tpu.memory_space<vmem>>, vector<1x16xf32>,
        %parallel_loop3A_125 = vector.shape_cast %parallel_loop3A_124 : vector<1x16xf32> to vector<16xf32>
        %parallel_loop3A_126 = arith.mulf %parallel_loop3A_125, %parallel_loop3A_91 : vector<16xf32>
        %parallel_loop3A_127 = arith.index_cast %parallel_loop3A_65 : i32 to index
        %parallel_loop3A_128 = arith.constant 48 : index
        %parallel_loop3A_129 = tpu.vector_load %arg13[%parallel_loop3A_127, %parallel_loop3A_128] {strides = array<i32>} : memref<80x144xf32, #tpu.memory_space<vmem>>, vector<1x16xf32>,
        %parallel_loop3A_130 = vector.shape_cast %parallel_loop3A_129 : vector<1x16xf32> to vector<16xf32>
        %parallel_loop3A_131 = vector.shape_cast %parallel_loop3A_126 : vector<16xf32> to vector<1x16xf32>
        tpu.vector_store %arg13[%parallel_loop3A_127, %parallel_loop3A_128], %parallel_loop3A_131 {strides = array<i32>} : memref<80x144xf32, #tpu.memory_space<vmem>>, vector<1x16xf32>,
        %parallel_loop3A_132 = arith.index_cast %parallel_loop3A_65 : i32 to index
        %parallel_loop3A_133 = arith.constant 64 : index
        %parallel_loop3A_134 = tpu.vector_load %arg11[%parallel_loop3A_132, %parallel_loop3A_133] {strides = array<i32>} : memref<80x144xf32, #tpu.memory_space<vmem>>, vector<1x16xf32>,
        %parallel_loop3A_135 = vector.shape_cast %parallel_loop3A_134 : vector<1x16xf32> to vector<16xf32>
        %parallel_loop3A_136 = arith.mulf %parallel_loop3A_135, %parallel_loop3A_91 : vector<16xf32>
        %parallel_loop3A_137 = arith.index_cast %parallel_loop3A_65 : i32 to index
        %parallel_loop3A_138 = arith.constant 64 : index
        %parallel_loop3A_139 = tpu.vector_load %arg13[%parallel_loop3A_137, %parallel_loop3A_138] {strides = array<i32>} : memref<80x144xf32, #tpu.memory_space<vmem>>, vector<1x16xf32>,
        %parallel_loop3A_140 = vector.shape_cast %parallel_loop3A_139 : vector<1x16xf32> to vector<16xf32>
        %parallel_loop3A_141 = vector.shape_cast %parallel_loop3A_136 : vector<16xf32> to vector<1x16xf32>
        tpu.vector_store %arg13[%parallel_loop3A_137, %parallel_loop3A_138], %parallel_loop3A_141 {strides = array<i32>} : memref<80x144xf32, #tpu.memory_space<vmem>>, vector<1x16xf32>,
        %parallel_loop3A_142 = arith.index_cast %parallel_loop3A_65 : i32 to index
        %parallel_loop3A_143 = arith.constant 80 : index
        %parallel_loop3A_144 = tpu.vector_load %arg11[%parallel_loop3A_142, %parallel_loop3A_143] {strides = array<i32>} : memref<80x144xf32, #tpu.memory_space<vmem>>, vector<1x16xf32>,
        %parallel_loop3A_145 = vector.shape_cast %parallel_loop3A_144 : vector<1x16xf32> to vector<16xf32>
        %parallel_loop3A_146 = arith.mulf %parallel_loop3A_145, %parallel_loop3A_91 : vector<16xf32>
        %parallel_loop3A_147 = arith.index_cast %parallel_loop3A_65 : i32 to index
        %parallel_loop3A_148 = arith.constant 80 : index
        %parallel_loop3A_149 = tpu.vector_load %arg13[%parallel_loop3A_147, %parallel_loop3A_148] {strides = array<i32>} : memref<80x144xf32, #tpu.memory_space<vmem>>, vector<1x16xf32>,
        %parallel_loop3A_150 = vector.shape_cast %parallel_loop3A_149 : vector<1x16xf32> to vector<16xf32>
        %parallel_loop3A_151 = vector.shape_cast %parallel_loop3A_146 : vector<16xf32> to vector<1x16xf32>
        tpu.vector_store %arg13[%parallel_loop3A_147, %parallel_loop3A_148], %parallel_loop3A_151 {strides = array<i32>} : memref<80x144xf32, #tpu.memory_space<vmem>>, vector<1x16xf32>,
        %parallel_loop3A_152 = arith.index_cast %parallel_loop3A_65 : i32 to index
        %parallel_loop3A_153 = arith.constant 96 : index
        %parallel_loop3A_154 = tpu.vector_load %arg11[%parallel_loop3A_152, %parallel_loop3A_153] {strides = array<i32>} : memref<80x144xf32, #tpu.memory_space<vmem>>, vector<1x16xf32>,
        %parallel_loop3A_155 = vector.shape_cast %parallel_loop3A_154 : vector<1x16xf32> to vector<16xf32>
        %parallel_loop3A_156 = arith.mulf %parallel_loop3A_155, %parallel_loop3A_91 : vector<16xf32>
        %parallel_loop3A_157 = arith.index_cast %parallel_loop3A_65 : i32 to index
        %parallel_loop3A_158 = arith.constant 96 : index
        %parallel_loop3A_159 = tpu.vector_load %arg13[%parallel_loop3A_157, %parallel_loop3A_158] {strides = array<i32>} : memref<80x144xf32, #tpu.memory_space<vmem>>, vector<1x16xf32>,
        %parallel_loop3A_160 = vector.shape_cast %parallel_loop3A_159 : vector<1x16xf32> to vector<16xf32>
        %parallel_loop3A_161 = vector.shape_cast %parallel_loop3A_156 : vector<16xf32> to vector<1x16xf32>
        tpu.vector_store %arg13[%parallel_loop3A_157, %parallel_loop3A_158], %parallel_loop3A_161 {strides = array<i32>} : memref<80x144xf32, #tpu.memory_space<vmem>>, vector<1x16xf32>,
        %parallel_loop3A_162 = arith.index_cast %parallel_loop3A_65 : i32 to index
        %parallel_loop3A_163 = arith.constant 112 : index
        %parallel_loop3A_164 = tpu.vector_load %arg11[%parallel_loop3A_162, %parallel_loop3A_163] {strides = array<i32>} : memref<80x144xf32, #tpu.memory_space<vmem>>, vector<1x16xf32>,
        %parallel_loop3A_165 = vector.shape_cast %parallel_loop3A_164 : vector<1x16xf32> to vector<16xf32>
        %parallel_loop3A_166 = arith.mulf %parallel_loop3A_165, %parallel_loop3A_91 : vector<16xf32>
        %parallel_loop3A_167 = arith.index_cast %parallel_loop3A_65 : i32 to index
        %parallel_loop3A_168 = arith.constant 112 : index
        %parallel_loop3A_169 = tpu.vector_load %arg13[%parallel_loop3A_167, %parallel_loop3A_168] {strides = array<i32>} : memref<80x144xf32, #tpu.memory_space<vmem>>, vector<1x16xf32>,
        %parallel_loop3A_170 = vector.shape_cast %parallel_loop3A_169 : vector<1x16xf32> to vector<16xf32>
        %parallel_loop3A_171 = vector.shape_cast %parallel_loop3A_166 : vector<16xf32> to vector<1x16xf32>
        tpu.vector_store %arg13[%parallel_loop3A_167, %parallel_loop3A_168], %parallel_loop3A_171 {strides = array<i32>} : memref<80x144xf32, #tpu.memory_space<vmem>>, vector<1x16xf32>,
        %parallel_loop3A_172 = arith.index_cast %parallel_loop3A_65 : i32 to index
        %parallel_loop3A_173 = arith.constant 128 : index
        %parallel_loop3A_174 = tpu.vector_load %arg13[%parallel_loop3A_172, %parallel_loop3A_173] {strides = array<i32>} : memref<80x144xf32, #tpu.memory_space<vmem>>, vector<1x16xf32>,
        %parallel_loop3A_175 = vector.shape_cast %parallel_loop3A_174 : vector<1x16xf32> to vector<16xf32>
        %parallel_loop3A_176 = vector.shape_cast %parallel_loop3A_91 : vector<16xf32> to vector<1x16xf32>
        tpu.vector_store %arg13[%parallel_loop3A_172, %parallel_loop3A_173], %parallel_loop3A_176 {strides = array<i32>} : memref<80x144xf32, #tpu.memory_space<vmem>>, vector<1x16xf32>,
      } {sc.loop_unroll_factor = 4 : i64, sc.parallel_access}
      %run_scoped3A_63 = arith.constant 0 : i32
      "tpu.region"() ({
        %run_scoped3A_65 = tpu.sem_alloc : memref<!tpu.dma_semaphore, #tpu.memory_space<semaphore_mem>>
        %dma_start3A_66 = arith.constant 0 : i32
        %dma_start3A_67 = tpu.memref_slice %arg10[%run_scoped3A_63, %dma_start3A_66] : memref<1x80xi32, #tpu.memory_space<vmem>> -> memref<1x80xi32, #tpu.memory_space<vmem>>
        %dma_start3A_68 = tpu.memref_squeeze %dma_start3A_67 : memref<1x80xi32, #tpu.memory_space<vmem>> -> memref<80xi32, #tpu.memory_space<vmem>>
        %dma_start3A_69 = arith.constant 0 : i32
        %dma_start3A_70 = arith.constant 0 : i32
        %dma_start3A_71 = tpu.memref_slice %arg8[%dma_start3A_69, %dma_start3A_70] : memref<10240x144xf32, #tpu.memory_space<vmem_shared>> -> memref<10240x144xf32, #tpu.memory_space<vmem_shared>>
        tpu.enqueue_indirect_dma source(%arg13 : memref<80x144xf32, #tpu.memory_space<vmem>>) target(%dma_start3A_71 : memref<10240x144xf32, #tpu.memory_space<vmem_shared>>) offsets(%dma_start3A_68 : memref<80xi32, #tpu.memory_space<vmem>>) semaphore(%run_scoped3A_65 : memref<!tpu.dma_semaphore, #tpu.memory_space<semaphore_mem>>) {add = true}
        %dma_wait3A_72 = arith.constant 0 : i32
        %dma_wait3A_73 = tpu.memref_slice %arg10[%run_scoped3A_63, %dma_wait3A_72] : memref<1x80xi32, #tpu.memory_space<vmem>> -> memref<1x80xi32, #tpu.memory_space<vmem>>
        %dma_wait3A_74 = tpu.memref_squeeze %dma_wait3A_73 : memref<1x80xi32, #tpu.memory_space<vmem>> -> memref<80xi32, #tpu.memory_space<vmem>>
        %dma_wait3A_75 = arith.constant 0 : i32
        %dma_wait3A_76 = arith.constant 0 : i32
        %dma_wait3A_77 = tpu.memref_slice %arg8[%dma_wait3A_75, %dma_wait3A_76] : memref<10240x144xf32, #tpu.memory_space<vmem_shared>> -> memref<10240x144xf32, #tpu.memory_space<vmem_shared>>
        tpu.wait_indirect_dma semaphore(%run_scoped3A_65 : memref<!tpu.dma_semaphore, #tpu.memory_space<semaphore_mem>>) src(%arg13 : memref<80x144xf32, #tpu.memory_space<vmem>>) dst(%dma_wait3A_77 : memref<10240x144xf32, #tpu.memory_space<vmem_shared>>)
        tpu.yield
      }) : () -> ()
      %scan3A_64 = arith.constant 0 : i32
      scf.yield %scan3A_64 : i32
    }
    %scan3A_34 = arith.constant 125 : i32
    %barrier3A_35 = arith.constant 0 : index
    tpu.barrier barrier_id(%barrier3A_35)
    "tpu.region"() ({
      %run_scoped3A = tpu.sem_alloc : memref<!tpu.dma_semaphore, #tpu.memory_space<semaphore_mem>>
      %dma_start3A = arith.constant 0 : i32
      %dma_start3A_36 = arith.constant 0 : i32
      %dma_start3A_37 = tpu.memref_slice %arg7[%arg0, %dma_start3A, %dma_start3A_36] : memref<2x10240x144xf32, #tpu.memory_space<hbm>> -> memref<1x10240x144xf32, #tpu.memory_space<hbm>>
      %dma_start3A_38 = tpu.memref_squeeze %dma_start3A_37 : memref<1x10240x144xf32, #tpu.memory_space<hbm>> -> memref<10240x144xf32, #tpu.memory_space<hbm>>
      %dma_start3A_39 = arith.constant 0 : i32
      %dma_start3A_40 = tpu.memref_slice %dma_start3A_38[%mul3A_11, %dma_start3A_39] : memref<10240x144xf32, #tpu.memory_space<hbm>> -> memref<640x144xf32, #tpu.memory_space<hbm>>
      %dma_start3A_41 = arith.constant 0 : i32
      %dma_start3A_42 = tpu.memref_slice %arg8[%mul3A_11, %dma_start3A_41] : memref<10240x144xf32, #tpu.memory_space<vmem_shared>> -> memref<640x144xf32, #tpu.memory_space<vmem_shared>>
      tpu.enqueue_dma source(%dma_start3A_42 : memref<640x144xf32, #tpu.memory_space<vmem_shared>>) target(%dma_start3A_40 : memref<640x144xf32, #tpu.memory_space<hbm>>) target_semaphore(%run_scoped3A : memref<!tpu.dma_semaphore, #tpu.memory_space<semaphore_mem>>)
      %dma_wait3A = arith.constant 0 : i32
      %dma_wait3A_43 = arith.constant 0 : i32
      %dma_wait3A_44 = tpu.memref_slice %arg7[%arg0, %dma_wait3A, %dma_wait3A_43] : memref<2x10240x144xf32, #tpu.memory_space<hbm>> -> memref<1x10240x144xf32, #tpu.memory_space<hbm>>
      %dma_wait3A_45 = tpu.memref_squeeze %dma_wait3A_44 : memref<1x10240x144xf32, #tpu.memory_space<hbm>> -> memref<10240x144xf32, #tpu.memory_space<hbm>>
      %dma_wait3A_46 = arith.constant 0 : i32
      %dma_wait3A_47 = tpu.memref_slice %dma_wait3A_45[%mul3A_11, %dma_wait3A_46] : memref<10240x144xf32, #tpu.memory_space<hbm>> -> memref<640x144xf32, #tpu.memory_space<hbm>>
      %dma_wait3A_48 = arith.constant 0 : i32
      %dma_wait3A_49 = tpu.memref_slice %arg8[%mul3A_11, %dma_wait3A_48] : memref<10240x144xf32, #tpu.memory_space<vmem_shared>> -> memref<640x144xf32, #tpu.memory_space<vmem_shared>>
      tpu.wait_dma2 semaphore(%run_scoped3A : memref<!tpu.dma_semaphore, #tpu.memory_space<semaphore_mem>>) src(%dma_wait3A_49 : memref<640x144xf32, #tpu.memory_space<vmem_shared>>) dst(%dma_wait3A_47 : memref<640x144xf32, #tpu.memory_space<hbm>>)
      tpu.yield
    }) : () -> ()
    return
  }
}

module attributes {stable_mosaic.version = 14 : i64} {
  func.func @_pre_body(%arg0: i32, %arg1: memref<1000x128xf32, #tpu.memory_space<vmem>>, %arg2: memref<128x128xf32, #tpu.memory_space<vmem>>, %arg3: memref<1x128xf32, #tpu.memory_space<vmem>>, %arg4: memref<128x128xf32, #tpu.memory_space<vmem>>, %arg5: memref<1x128xf32, #tpu.memory_space<vmem>>, %arg6: memref<128x128xf32, #tpu.memory_space<vmem>>, %arg7: memref<1x128xf32, #tpu.memory_space<vmem>>, %arg8: memref<1x64xf32, #tpu.memory_space<vmem>>, %arg9: memref<64x256xf32, #tpu.memory_space<vmem>>, %arg10: memref<64x128xf32, #tpu.memory_space<vmem>>, %arg11: memref<1x128xf32, #tpu.memory_space<vmem>>, %arg12: memref<128x128xf32, #tpu.memory_space<vmem>>, %arg13: memref<128x8xf32, #tpu.memory_space<vmem>>, %arg14: memref<256x128xf32, #tpu.memory_space<vmem>>, %arg15: memref<256x128xf32, #tpu.memory_space<vmem>>, %arg16: memref<1000x144xf32, #tpu.memory_space<vmem>>, %arg17: memref<1000x16xf32, #tpu.memory_space<vmem>>, %arg18: memref<1000x128xf32, #tpu.memory_space<vmem>>, %arg19: memref<1x8xf32, #tpu.memory_space<vmem>>, %arg20: memref<1x128xf32, #tpu.memory_space<vmem>>) attributes {dimension_semantics = [#tpu.dimension_semantics<arbitrary>], iteration_bounds = array<i64: 10>, scalar_prefetch = 0 : i64, scratch_operands = 0 : i64, tpu.core_type = #tpu.core_type<tc>, window_params = [{transform_indices = @transform_0, window_bounds = array<i64: 1000, 128>}, {pipeline_mode = #tpu.pipeline_mode<synchronous>, transform_indices = @transform_1, window_bounds = array<i64: 128, 128>}, {pipeline_mode = #tpu.pipeline_mode<synchronous>, transform_indices = @transform_2, window_bounds = array<i64: 1, 128>}, {pipeline_mode = #tpu.pipeline_mode<synchronous>, transform_indices = @transform_3, window_bounds = array<i64: 128, 128>}, {pipeline_mode = #tpu.pipeline_mode<synchronous>, transform_indices = @transform_4, window_bounds = array<i64: 1, 128>}, {pipeline_mode = #tpu.pipeline_mode<synchronous>, transform_indices = @transform_5, window_bounds = array<i64: 128, 128>}, {pipeline_mode = #tpu.pipeline_mode<synchronous>, transform_indices = @transform_6, window_bounds = array<i64: 1, 128>}, {pipeline_mode = #tpu.pipeline_mode<synchronous>, transform_indices = @transform_7, window_bounds = array<i64: 1, 64>}, {pipeline_mode = #tpu.pipeline_mode<synchronous>, transform_indices = @transform_8, window_bounds = array<i64: 64, 256>}, {pipeline_mode = #tpu.pipeline_mode<synchronous>, transform_indices = @transform_9, window_bounds = array<i64: 64, 128>}, {pipeline_mode = #tpu.pipeline_mode<synchronous>, transform_indices = @transform_10, window_bounds = array<i64: 1, 128>}, {pipeline_mode = #tpu.pipeline_mode<synchronous>, transform_indices = @transform_11, window_bounds = array<i64: 128, 128>}, {pipeline_mode = #tpu.pipeline_mode<synchronous>, transform_indices = @transform_12, window_bounds = array<i64: 128, 8>}, {pipeline_mode = #tpu.pipeline_mode<synchronous>, transform_indices = @transform_13, window_bounds = array<i64: 256, 128>}, {pipeline_mode = #tpu.pipeline_mode<synchronous>, transform_indices = @transform_14, window_bounds = array<i64: 256, 128>}, {transform_indices = @transform_15, window_bounds = array<i64: 1000, 144>}, {transform_indices = @transform_16, window_bounds = array<i64: 1000, 16>}, {transform_indices = @transform_17, window_bounds = array<i64: 1000, 128>}, {pipeline_mode = #tpu.pipeline_mode<synchronous>, transform_indices = @transform_18, window_bounds = array<i64: 1, 8>}, {pipeline_mode = #tpu.pipeline_mode<synchronous>, transform_indices = @transform_19, window_bounds = array<i64: 1, 128>}]} {
    %get3A = arith.constant 0 : index
    %get3A_0 = arith.constant 0 : index
    %get3A_1 = vector.load %arg1[%get3A, %get3A_0] : memref<1000x128xf32, #tpu.memory_space<vmem>>, vector<1000x128xf32>
    %get3A_2 = arith.constant 0 : index
    %get3A_3 = arith.constant 0 : index
    %get3A_4 = vector.load %arg2[%get3A_2, %get3A_3] : memref<128x128xf32, #tpu.memory_space<vmem>>, vector<128x128xf32>
    %dot_general3A = arith.constant dense<0.000000e+00> : vector<1000x128xf32>
    %dot_general3A_5 = tpu.matmul %get3A_1, %get3A_4, %dot_general3A {dimension_numbers = #tpu.dot_dimension_numbers<[1], [0], [0], [1], [0, 0, 1, 1], [], []>, transpose_lhs_hint = false} : vector<1000x128xf32>, vector<128x128xf32>, vector<1000x128xf32> -> vector<1000x128xf32>
    %get3A_6 = arith.constant 0 : index
    %get3A_7 = arith.constant 0 : index
    %get3A_8 = vector.load %arg3[%get3A_6, %get3A_7] : memref<1x128xf32, #tpu.memory_space<vmem>>, vector<1x128xf32>
    %add3A = vector.broadcast %get3A_8 : vector<1x128xf32> to vector<1000x128xf32>
    %add3A_9 = arith.addf %dot_general3A_5, %add3A : vector<1000x128xf32>
    %get3A_10 = arith.constant 0 : index
    %get3A_11 = arith.constant 0 : index
    %get3A_12 = vector.load %arg4[%get3A_10, %get3A_11] : memref<128x128xf32, #tpu.memory_space<vmem>>, vector<128x128xf32>
    %dot_general3A_13 = arith.constant dense<0.000000e+00> : vector<1000x128xf32>
    %dot_general3A_14 = tpu.matmul %add3A_9, %get3A_12, %dot_general3A_13 {dimension_numbers = #tpu.dot_dimension_numbers<[1], [0], [0], [1], [0, 0, 1, 1], [], []>, transpose_lhs_hint = false} : vector<1000x128xf32>, vector<128x128xf32>, vector<1000x128xf32> -> vector<1000x128xf32>
    %get3A_15 = arith.constant 0 : index
    %get3A_16 = arith.constant 0 : index
    %get3A_17 = vector.load %arg5[%get3A_15, %get3A_16] : memref<1x128xf32, #tpu.memory_space<vmem>>, vector<1x128xf32>
    %add3A_18 = vector.broadcast %get3A_17 : vector<1x128xf32> to vector<1000x128xf32>
    %add3A_19 = arith.addf %dot_general3A_14, %add3A_18 : vector<1000x128xf32>
    %get3A_20 = arith.constant 0 : index
    %get3A_21 = arith.constant 0 : index
    %get3A_22 = vector.load %arg8[%get3A_20, %get3A_21] : memref<1x64xf32, #tpu.memory_space<vmem>>, vector<1x64xf32>
    %get3A_23 = arith.constant 0 : index
    %get3A_24 = arith.constant 0 : index
    %get3A_25 = vector.load %arg9[%get3A_23, %get3A_24] : memref<64x256xf32, #tpu.memory_space<vmem>>, vector<64x256xf32>
    %dot_general3A_26 = arith.constant dense<0.000000e+00> : vector<1x256xf32>
    %dot_general3A_27 = tpu.matmul %get3A_22, %get3A_25, %dot_general3A_26 {dimension_numbers = #tpu.dot_dimension_numbers<[1], [0], [0], [1], [0, 0, 1, 1], [], []>, transpose_lhs_hint = false} : vector<1x64xf32>, vector<64x256xf32>, vector<1x256xf32> -> vector<1x256xf32>
    %get3A_28 = arith.constant 0 : index
    %get3A_29 = arith.constant 0 : index
    %get3A_30 = vector.load %arg14[%get3A_28, %get3A_29] : memref<256x128xf32, #tpu.memory_space<vmem>>, vector<256x128xf32>
    %dot_general3A_31 = arith.constant dense<0.000000e+00> : vector<1x128xf32>
    %dot_general3A_32 = tpu.matmul %dot_general3A_27, %get3A_30, %dot_general3A_31 {dimension_numbers = #tpu.dot_dimension_numbers<[1], [0], [0], [1], [0, 0, 1, 1], [], []>, transpose_lhs_hint = false} : vector<1x256xf32>, vector<256x128xf32>, vector<1x128xf32> -> vector<1x128xf32>
    %get3A_33 = arith.constant 0 : index
    %get3A_34 = arith.constant 0 : index
    %get3A_35 = vector.load %arg15[%get3A_33, %get3A_34] : memref<256x128xf32, #tpu.memory_space<vmem>>, vector<256x128xf32>
    %dot_general3A_36 = arith.constant dense<0.000000e+00> : vector<1x128xf32>
    %dot_general3A_37 = tpu.matmul %dot_general3A_27, %get3A_35, %dot_general3A_36 {dimension_numbers = #tpu.dot_dimension_numbers<[1], [0], [0], [1], [0, 0, 1, 1], [], []>, transpose_lhs_hint = false} : vector<1x256xf32>, vector<256x128xf32>, vector<1x128xf32> -> vector<1x128xf32>
    %mul3A = vector.broadcast %dot_general3A_32 : vector<1x128xf32> to vector<1000x128xf32>
    %mul3A_38 = arith.mulf %add3A_19, %mul3A : vector<1000x128xf32>
    %get3A_39 = arith.constant 0 : index
    %get3A_40 = arith.constant 0 : index
    %get3A_41 = vector.load %arg13[%get3A_39, %get3A_40] : memref<128x8xf32, #tpu.memory_space<vmem>>, vector<128x8xf32>
    %dot_general3A_42 = arith.constant dense<0.000000e+00> : vector<1000x8xf32>
    %dot_general3A_43 = tpu.matmul %mul3A_38, %get3A_41, %dot_general3A_42 {dimension_numbers = #tpu.dot_dimension_numbers<[1], [0], [0], [1], [0, 0, 1, 1], [], []>, transpose_lhs_hint = false} : vector<1000x128xf32>, vector<128x8xf32>, vector<1000x8xf32> -> vector<1000x8xf32>
    %mul3A_44 = vector.broadcast %dot_general3A_37 : vector<1x128xf32> to vector<1000x128xf32>
    %mul3A_45 = arith.mulf %add3A_9, %mul3A_44 : vector<1000x128xf32>
    %get3A_46 = arith.constant 0 : index
    %get3A_47 = arith.constant 0 : index
    %get3A_48 = vector.load %arg13[%get3A_46, %get3A_47] : memref<128x8xf32, #tpu.memory_space<vmem>>, vector<128x8xf32>
    %dot_general3A_49 = arith.constant dense<0.000000e+00> : vector<1000x8xf32>
    %dot_general3A_50 = tpu.matmul %mul3A_45, %get3A_48, %dot_general3A_49 {dimension_numbers = #tpu.dot_dimension_numbers<[1], [0], [0], [1], [0, 0, 1, 1], [], []>, transpose_lhs_hint = false} : vector<1000x128xf32>, vector<128x8xf32>, vector<1000x8xf32> -> vector<1000x8xf32>
    %get3A_51 = arith.constant 0 : index
    %get3A_52 = arith.constant 0 : index
    %get3A_53 = vector.load %arg12[%get3A_51, %get3A_52] : memref<128x128xf32, #tpu.memory_space<vmem>>, vector<128x128xf32>
    %dot_general3A_54 = arith.constant dense<0.000000e+00> : vector<1000x128xf32>
    %dot_general3A_55 = tpu.matmul %add3A_19, %get3A_53, %dot_general3A_54 {dimension_numbers = #tpu.dot_dimension_numbers<[1], [0], [0], [1], [0, 0, 1, 1], [], []>, transpose_lhs_hint = false} : vector<1000x128xf32>, vector<128x128xf32>, vector<1000x128xf32> -> vector<1000x128xf32>
    %swap3A = arith.constant 0 : index
    %swap3A_56 = arith.constant 0 : index
    %swap3A_57 = vector.load %arg16[%swap3A, %swap3A_56] : memref<1000x144xf32, #tpu.memory_space<vmem>>, vector<1000x128xf32>
    tpu.vector_store %arg16[%swap3A, %swap3A_56], %dot_general3A_55 {strides = array<i32>} : memref<1000x144xf32, #tpu.memory_space<vmem>>, vector<1000x128xf32>,
    %swap3A_58 = arith.constant 0 : index
    %swap3A_59 = arith.constant 128 : index
    %swap3A_60 = vector.load %arg16[%swap3A_58, %swap3A_59] : memref<1000x144xf32, #tpu.memory_space<vmem>>, vector<1000x8xf32>
    tpu.vector_store %arg16[%swap3A_58, %swap3A_59], %dot_general3A_43 {strides = array<i32>} : memref<1000x144xf32, #tpu.memory_space<vmem>>, vector<1000x8xf32>,
    %swap3A_61 = arith.constant 0 : index
    %swap3A_62 = arith.constant 136 : index
    %swap3A_63 = vector.load %arg16[%swap3A_61, %swap3A_62] : memref<1000x144xf32, #tpu.memory_space<vmem>>, vector<1000x8xf32>
    tpu.vector_store %arg16[%swap3A_61, %swap3A_62], %dot_general3A_43 {strides = array<i32>} : memref<1000x144xf32, #tpu.memory_space<vmem>>, vector<1000x8xf32>,
    %swap3A_64 = arith.constant 0 : index
    %swap3A_65 = arith.constant 0 : index
    %swap3A_66 = vector.load %arg17[%swap3A_64, %swap3A_65] : memref<1000x16xf32, #tpu.memory_space<vmem>>, vector<1000x8xf32>
    tpu.vector_store %arg17[%swap3A_64, %swap3A_65], %dot_general3A_50 {strides = array<i32>} : memref<1000x16xf32, #tpu.memory_space<vmem>>, vector<1000x8xf32>,
    %swap3A_67 = arith.constant 0 : index
    %swap3A_68 = arith.constant 8 : index
    %swap3A_69 = vector.load %arg17[%swap3A_67, %swap3A_68] : memref<1000x16xf32, #tpu.memory_space<vmem>>, vector<1000x8xf32>
    tpu.vector_store %arg17[%swap3A_67, %swap3A_68], %dot_general3A_50 {strides = array<i32>} : memref<1000x16xf32, #tpu.memory_space<vmem>>, vector<1000x8xf32>,
    %get3A_70 = arith.constant 0 : index
    %get3A_71 = arith.constant 0 : index
    %get3A_72 = vector.load %arg6[%get3A_70, %get3A_71] : memref<128x128xf32, #tpu.memory_space<vmem>>, vector<128x128xf32>
    %dot_general3A_73 = arith.constant dense<0.000000e+00> : vector<1000x128xf32>
    %dot_general3A_74 = tpu.matmul %get3A_1, %get3A_72, %dot_general3A_73 {dimension_numbers = #tpu.dot_dimension_numbers<[1], [0], [0], [1], [0, 0, 1, 1], [], []>, transpose_lhs_hint = false} : vector<1000x128xf32>, vector<128x128xf32>, vector<1000x128xf32> -> vector<1000x128xf32>
    %get3A_75 = arith.constant 0 : index
    %get3A_76 = arith.constant 0 : index
    %get3A_77 = vector.load %arg7[%get3A_75, %get3A_76] : memref<1x128xf32, #tpu.memory_space<vmem>>, vector<1x128xf32>
    %add3A_78 = vector.broadcast %get3A_77 : vector<1x128xf32> to vector<1000x128xf32>
    %add3A_79 = arith.addf %dot_general3A_74, %add3A_78 : vector<1000x128xf32>
    %swap3A_80 = arith.constant 0 : index
    %swap3A_81 = arith.constant 0 : index
    %swap3A_82 = vector.load %arg18[%swap3A_80, %swap3A_81] : memref<1000x128xf32, #tpu.memory_space<vmem>>, vector<1000x128xf32>
    tpu.vector_store %arg18[%swap3A_80, %swap3A_81], %add3A_79 {strides = array<i32>} : memref<1000x128xf32, #tpu.memory_space<vmem>>, vector<1000x128xf32>,
    %reduce_max3A = arith.constant dense<0xFF800000> : vector<8xf32>
    %reduce_max3A_83 = vector.multi_reduction <maximumf>, %dot_general3A_43, %reduce_max3A [0] : vector<1000x8xf32> to vector<8xf32>
    %broadcast_in_dim3A = vector.shape_cast %reduce_max3A_83 : vector<8xf32> to vector<1x8xf32>
    %eq3A = arith.constant 0 : i32
    %eq3A_84 = arith.cmpi eq, %arg0, %eq3A : i32
    %convert_element_type3A = arith.extui %eq3A_84 : i1 to i32
    %cond3A = arith.constant 0 : i32
    %cond3A_85 = arith.cmpi ne, %convert_element_type3A, %cond3A : i32
    scf.if %cond3A_85 {
      %swap3A_90 = arith.constant 0 : index
      %swap3A_91 = arith.constant 0 : index
      %swap3A_92 = vector.load %arg19[%swap3A_90, %swap3A_91] : memref<1x8xf32, #tpu.memory_space<vmem>>, vector<1x8xf32>
      tpu.vector_store %arg19[%swap3A_90, %swap3A_91], %broadcast_in_dim3A {strides = array<i32>} : memref<1x8xf32, #tpu.memory_space<vmem>>, vector<1x8xf32>,
      %get3A_93 = arith.constant 0 : index
      %get3A_94 = arith.constant 0 : index
      %get3A_95 = vector.load %arg8[%get3A_93, %get3A_94] : memref<1x64xf32, #tpu.memory_space<vmem>>, vector<1x64xf32>
      %get3A_96 = arith.constant 0 : index
      %get3A_97 = arith.constant 0 : index
      %get3A_98 = vector.load %arg10[%get3A_96, %get3A_97] : memref<64x128xf32, #tpu.memory_space<vmem>>, vector<64x128xf32>
      %dot_general3A_99 = arith.constant dense<0.000000e+00> : vector<1x128xf32>
      %dot_general3A_100 = tpu.matmul %get3A_95, %get3A_98, %dot_general3A_99 {dimension_numbers = #tpu.dot_dimension_numbers<[1], [0], [0], [1], [0, 0, 1, 1], [], []>, transpose_lhs_hint = false} : vector<1x64xf32>, vector<64x128xf32>, vector<1x128xf32> -> vector<1x128xf32>
      %get3A_101 = arith.constant 0 : index
      %get3A_102 = arith.constant 0 : index
      %get3A_103 = vector.load %arg11[%get3A_101, %get3A_102] : memref<1x128xf32, #tpu.memory_space<vmem>>, vector<1x128xf32>
      %add3A_104 = arith.addf %dot_general3A_100, %get3A_103 : vector<1x128xf32>
      %swap3A_105 = arith.constant 0 : index
      %swap3A_106 = arith.constant 0 : index
      %swap3A_107 = vector.load %arg20[%swap3A_105, %swap3A_106] : memref<1x128xf32, #tpu.memory_space<vmem>>, vector<1x128xf32>
      tpu.vector_store %arg20[%swap3A_105, %swap3A_106], %add3A_104 {strides = array<i32>} : memref<1x128xf32, #tpu.memory_space<vmem>>, vector<1x128xf32>,
    } else {
    }
    %gt3A = arith.constant 0 : i32
    %gt3A_86 = arith.cmpi sgt, %arg0, %gt3A : i32
    %convert_element_type3A_87 = arith.extui %gt3A_86 : i1 to i32
    %cond3A_88 = arith.constant 0 : i32
    %cond3A_89 = arith.cmpi ne, %convert_element_type3A_87, %cond3A_88 : i32
    scf.if %cond3A_89 {
      %get3A_90 = arith.constant 0 : index
      %get3A_91 = arith.constant 0 : index
      %get3A_92 = vector.load %arg19[%get3A_90, %get3A_91] : memref<1x8xf32, #tpu.memory_space<vmem>>, vector<1x8xf32>
      %max3A = arith.maximumf %get3A_92, %broadcast_in_dim3A : vector<1x8xf32>
      %swap3A_93 = arith.constant 0 : index
      %swap3A_94 = arith.constant 0 : index
      %swap3A_95 = vector.load %arg19[%swap3A_93, %swap3A_94] : memref<1x8xf32, #tpu.memory_space<vmem>>, vector<1x8xf32>
      tpu.vector_store %arg19[%swap3A_93, %swap3A_94], %max3A {strides = array<i32>} : memref<1x8xf32, #tpu.memory_space<vmem>>, vector<1x8xf32>,
    } else {
    }
    return
  }
  func.func @transform_0(%arg0: i32) -> (i32, i32) {
    %c0_i32 = arith.constant 0 : i32
    %c0_i32_0 = arith.constant 0 : i32
    return %arg0, %c0_i32 : i32, i32
  }
  func.func @transform_1(%arg0: i32) -> (i32, i32) {
    %c0_i32 = arith.constant 0 : i32
    %c0_i32_0 = arith.constant 0 : i32
    %c0_i32_1 = arith.constant 0 : i32
    return %c0_i32, %c0_i32_0 : i32, i32
  }
  func.func @transform_2(%arg0: i32) -> (i32, i32) {
    %c0_i32 = arith.constant 0 : i32
    %c0_i32_0 = arith.constant 0 : i32
    %c0_i32_1 = arith.constant 0 : i32
    return %c0_i32, %c0_i32_0 : i32, i32
  }
  func.func @transform_3(%arg0: i32) -> (i32, i32) {
    %c0_i32 = arith.constant 0 : i32
    %c0_i32_0 = arith.constant 0 : i32
    %c0_i32_1 = arith.constant 0 : i32
    return %c0_i32, %c0_i32_0 : i32, i32
  }
  func.func @transform_4(%arg0: i32) -> (i32, i32) {
    %c0_i32 = arith.constant 0 : i32
    %c0_i32_0 = arith.constant 0 : i32
    %c0_i32_1 = arith.constant 0 : i32
    return %c0_i32, %c0_i32_0 : i32, i32
  }
  func.func @transform_5(%arg0: i32) -> (i32, i32) {
    %c0_i32 = arith.constant 0 : i32
    %c0_i32_0 = arith.constant 0 : i32
    %c0_i32_1 = arith.constant 0 : i32
    return %c0_i32, %c0_i32_0 : i32, i32
  }
  func.func @transform_6(%arg0: i32) -> (i32, i32) {
    %c0_i32 = arith.constant 0 : i32
    %c0_i32_0 = arith.constant 0 : i32
    %c0_i32_1 = arith.constant 0 : i32
    return %c0_i32, %c0_i32_0 : i32, i32
  }
  func.func @transform_7(%arg0: i32) -> (i32, i32) {
    %c0_i32 = arith.constant 0 : i32
    %c0_i32_0 = arith.constant 0 : i32
    %c0_i32_1 = arith.constant 0 : i32
    return %c0_i32, %c0_i32_0 : i32, i32
  }
  func.func @transform_8(%arg0: i32) -> (i32, i32) {
    %c0_i32 = arith.constant 0 : i32
    %c0_i32_0 = arith.constant 0 : i32
    %c0_i32_1 = arith.constant 0 : i32
    return %c0_i32, %c0_i32_0 : i32, i32
  }
  func.func @transform_9(%arg0: i32) -> (i32, i32) {
    %c0_i32 = arith.constant 0 : i32
    %c0_i32_0 = arith.constant 0 : i32
    %c0_i32_1 = arith.constant 0 : i32
    return %c0_i32, %c0_i32_0 : i32, i32
  }
  func.func @transform_10(%arg0: i32) -> (i32, i32) {
    %c0_i32 = arith.constant 0 : i32
    %c0_i32_0 = arith.constant 0 : i32
    %c0_i32_1 = arith.constant 0 : i32
    return %c0_i32, %c0_i32_0 : i32, i32
  }
  func.func @transform_11(%arg0: i32) -> (i32, i32) {
    %c0_i32 = arith.constant 0 : i32
    %c0_i32_0 = arith.constant 0 : i32
    %c0_i32_1 = arith.constant 0 : i32
    return %c0_i32, %c0_i32_0 : i32, i32
  }
  func.func @transform_12(%arg0: i32) -> (i32, i32) {
    %c0_i32 = arith.constant 0 : i32
    %c0_i32_0 = arith.constant 0 : i32
    %c0_i32_1 = arith.constant 0 : i32
    return %c0_i32, %c0_i32_0 : i32, i32
  }
  func.func @transform_13(%arg0: i32) -> (i32, i32) {
    %c0_i32 = arith.constant 0 : i32
    %c0_i32_0 = arith.constant 0 : i32
    %c0_i32_1 = arith.constant 0 : i32
    return %c0_i32, %c0_i32_0 : i32, i32
  }
  func.func @transform_14(%arg0: i32) -> (i32, i32) {
    %c0_i32 = arith.constant 0 : i32
    %c0_i32_0 = arith.constant 0 : i32
    %c0_i32_1 = arith.constant 0 : i32
    return %c0_i32, %c0_i32_0 : i32, i32
  }
  func.func @transform_15(%arg0: i32) -> (i32, i32) {
    %c0_i32 = arith.constant 0 : i32
    %c0_i32_0 = arith.constant 0 : i32
    return %arg0, %c0_i32 : i32, i32
  }
  func.func @transform_16(%arg0: i32) -> (i32, i32) {
    %c0_i32 = arith.constant 0 : i32
    %c0_i32_0 = arith.constant 0 : i32
    return %arg0, %c0_i32 : i32, i32
  }
  func.func @transform_17(%arg0: i32) -> (i32, i32) {
    %c0_i32 = arith.constant 0 : i32
    %c0_i32_0 = arith.constant 0 : i32
    return %arg0, %c0_i32 : i32, i32
  }
  func.func @transform_18(%arg0: i32) -> (i32, i32) {
    %c0_i32 = arith.constant 0 : i32
    %c0_i32_0 = arith.constant 0 : i32
    %c0_i32_1 = arith.constant 0 : i32
    return %c0_i32, %c0_i32_0 : i32, i32
  }
  func.func @transform_19(%arg0: i32) -> (i32, i32) {
    %c0_i32 = arith.constant 0 : i32
    %c0_i32_0 = arith.constant 0 : i32
    %c0_i32_1 = arith.constant 0 : i32
    return %c0_i32, %c0_i32_0 : i32, i32
  }
}

module attributes {stable_mosaic.version = 14 : i64} {
  func.func @_post_body(%arg0: i32, %arg1: memref<1000x144xf32, #tpu.memory_space<vmem>>, %arg2: memref<1000x144xf32, #tpu.memory_space<vmem>>, %arg3: memref<1000x128xf32, #tpu.memory_space<vmem>>, %arg4: memref<128x128xf32, #tpu.memory_space<vmem>>, %arg5: memref<8x128xf32, #tpu.memory_space<vmem>>, %arg6: memref<1x1xf32, #tpu.memory_space<vmem>>, %arg7: memref<1000x128xf32, #tpu.memory_space<vmem>>) attributes {dimension_semantics = [#tpu.dimension_semantics<arbitrary>], iteration_bounds = array<i64: 10>, scalar_prefetch = 0 : i64, scratch_operands = 0 : i64, tpu.core_type = #tpu.core_type<tc>, window_params = [{transform_indices = @transform_0, window_bounds = array<i64: 1000, 144>}, {transform_indices = @transform_1, window_bounds = array<i64: 1000, 144>}, {transform_indices = @transform_2, window_bounds = array<i64: 1000, 128>}, {pipeline_mode = #tpu.pipeline_mode<synchronous>, transform_indices = @transform_3, window_bounds = array<i64: 128, 128>}, {pipeline_mode = #tpu.pipeline_mode<synchronous>, transform_indices = @transform_4, window_bounds = array<i64: 8, 128>}, {pipeline_mode = #tpu.pipeline_mode<synchronous>, transform_indices = @transform_5, window_bounds = array<i64: 1, 1>}, {transform_indices = @transform_6, window_bounds = array<i64: 1000, 128>}]} {
    %get3A = arith.constant 0 : index
    %get3A_0 = arith.constant 0 : index
    %get3A_1 = vector.load %arg1[%get3A, %get3A_0] : memref<1000x144xf32, #tpu.memory_space<vmem>>, vector<1000x144xf32>
    %get3A_2 = arith.constant 0 : index
    %get3A_3 = arith.constant 0 : index
    %get3A_4 = vector.load %arg2[%get3A_2, %get3A_3] : memref<1000x144xf32, #tpu.memory_space<vmem>>, vector<1000x144xf32>
    %add3A = arith.addf %get3A_1, %get3A_4 : vector<1000x144xf32>
    %slice3A = vector.extract_strided_slice %add3A {offsets = [0, 0], sizes = [1000, 128], strides = [1, 1]} : vector<1000x144xf32> to vector<1000x128xf32>
    %slice3A_5 = vector.extract_strided_slice %add3A {offsets = [0, 128], sizes = [1000, 8], strides = [1, 1]} : vector<1000x144xf32> to vector<1000x8xf32>
    %get3A_6 = arith.constant 0 : index
    %get3A_7 = arith.constant 0 : index
    %get3A_8 = vector.load %arg4[%get3A_6, %get3A_7] : memref<128x128xf32, #tpu.memory_space<vmem>>, vector<128x128xf32>
    %dot_general3A = arith.constant dense<0.000000e+00> : vector<1000x128xf32>
    %dot_general3A_9 = tpu.matmul %slice3A, %get3A_8, %dot_general3A {dimension_numbers = #tpu.dot_dimension_numbers<[1], [0], [0], [1], [0, 0, 1, 1], [], []>, transpose_lhs_hint = false} : vector<1000x128xf32>, vector<128x128xf32>, vector<1000x128xf32> -> vector<1000x128xf32>
    %get3A_10 = arith.constant 0 : index
    %get3A_11 = arith.constant 0 : index
    %get3A_12 = vector.load %arg5[%get3A_10, %get3A_11] : memref<8x128xf32, #tpu.memory_space<vmem>>, vector<8x128xf32>
    %dot_general3A_13 = arith.constant dense<0.000000e+00> : vector<1000x128xf32>
    %dot_general3A_14 = tpu.matmul %slice3A_5, %get3A_12, %dot_general3A_13 {dimension_numbers = #tpu.dot_dimension_numbers<[1], [0], [0], [1], [0, 0, 1, 1], [], []>, transpose_lhs_hint = false} : vector<1000x8xf32>, vector<8x128xf32>, vector<1000x128xf32> -> vector<1000x128xf32>
    %add3A_15 = arith.constant 1.000000e-16 : f32
    %add3A_16 = vector.broadcast %add3A_15 : f32 to vector<1000x128xf32>
    %add3A_17 = arith.addf %dot_general3A_14, %add3A_16 : vector<1000x128xf32>
    %div3A = arith.divf %dot_general3A_9, %add3A_17 : vector<1000x128xf32>
    %max3A = arith.constant 0.000000e+00 : f32
    %max3A_18 = vector.broadcast %max3A : f32 to vector<1000x128xf32>
    %max3A_19 = arith.maximumf %div3A, %max3A_18 : vector<1000x128xf32>
    %get3A_20 = arith.constant 0 : index
    %get3A_21 = arith.constant 0 : index
    %get3A_22 = vector.load %arg6[%get3A_20, %get3A_21] : memref<1x1xf32, #tpu.memory_space<vmem>>, vector<1x1xf32>
    %get3A_23 = vector.extract %get3A_22[0, 0] : f32 from vector<1x1xf32>
    %neg3A = arith.constant 0.000000e+00 : f32
    %neg3A_24 = arith.subf %neg3A, %get3A_23 : f32
    %exp3A = math.exp %neg3A_24 : f32
    %add3A_25 = arith.constant 1.000000e+00 : f32
    %add3A_26 = arith.addf %add3A_25, %exp3A : f32
    %div3A_27 = arith.constant 1.000000e+00 : f32
    %div3A_28 = arith.divf %div3A_27, %add3A_26 : f32
    %mul3A = vector.broadcast %div3A_28 : f32 to vector<1000x128xf32>
    %mul3A_29 = arith.mulf %max3A_19, %mul3A : vector<1000x128xf32>
    %get3A_30 = arith.constant 0 : index
    %get3A_31 = arith.constant 0 : index
    %get3A_32 = vector.load %arg3[%get3A_30, %get3A_31] : memref<1000x128xf32, #tpu.memory_space<vmem>>, vector<1000x128xf32>
    %sub3A = arith.constant 1.000000e+00 : f32
    %sub3A_33 = arith.subf %sub3A, %div3A_28 : f32
    %mul3A_34 = vector.broadcast %sub3A_33 : f32 to vector<1000x128xf32>
    %mul3A_35 = arith.mulf %get3A_32, %mul3A_34 : vector<1000x128xf32>
    %add3A_36 = arith.addf %mul3A_29, %mul3A_35 : vector<1000x128xf32>
    %swap3A = arith.constant 0 : index
    %swap3A_37 = arith.constant 0 : index
    %swap3A_38 = vector.load %arg7[%swap3A, %swap3A_37] : memref<1000x128xf32, #tpu.memory_space<vmem>>, vector<1000x128xf32>
    tpu.vector_store %arg7[%swap3A, %swap3A_37], %add3A_36 {strides = array<i32>} : memref<1000x128xf32, #tpu.memory_space<vmem>>, vector<1000x128xf32>,
    return
  }
  func.func @transform_0(%arg0: i32) -> (i32, i32) {
    %c0_i32 = arith.constant 0 : i32
    %c0_i32_0 = arith.constant 0 : i32
    return %arg0, %c0_i32 : i32, i32
  }
  func.func @transform_1(%arg0: i32) -> (i32, i32) {
    %c0_i32 = arith.constant 0 : i32
    %c0_i32_0 = arith.constant 0 : i32
    return %arg0, %c0_i32 : i32, i32
  }
  func.func @transform_2(%arg0: i32) -> (i32, i32) {
    %c0_i32 = arith.constant 0 : i32
    %c0_i32_0 = arith.constant 0 : i32
    return %arg0, %c0_i32 : i32, i32
  }
  func.func @transform_3(%arg0: i32) -> (i32, i32) {
    %c0_i32 = arith.constant 0 : i32
    %c0_i32_0 = arith.constant 0 : i32
    %c0_i32_1 = arith.constant 0 : i32
    return %c0_i32, %c0_i32_0 : i32, i32
  }
  func.func @transform_4(%arg0: i32) -> (i32, i32) {
    %c0_i32 = arith.constant 0 : i32
    %c0_i32_0 = arith.constant 0 : i32
    %c0_i32_1 = arith.constant 0 : i32
    return %c0_i32, %c0_i32_0 : i32, i32
  }
  func.func @transform_5(%arg0: i32) -> (i32, i32) {
    %c0_i32 = arith.constant 0 : i32
    %c0_i32_0 = arith.constant 0 : i32
    %c0_i32_1 = arith.constant 0 : i32
    return %c0_i32, %c0_i32_0 : i32, i32
  }
  func.func @transform_6(%arg0: i32) -> (i32, i32) {
    %c0_i32 = arith.constant 0 : i32
    %c0_i32_0 = arith.constant 0 : i32
    return %arg0, %c0_i32 : i32, i32
  }
}

</mosaic_0001>

<sc_bundles>
// kernel: kernel.5.cloned.1.call-start
scs
__scs_entry_jumppad:
0x0: {  	(pc) =	sbr.rel $0x88, $3  }
0x1: {  	(tag) =	ssettag $0x0;
	lr =	simm.s32 $0x1  }
0x2: {  	[smem:$0x3F94] =	sst lr;
	_ =	strace $0xD0000000  }
0x3: {  	_ = 	snop  }
0x4: {  	_ = 	snop  }
0x5: {  	_ = 	snop  }
0x6: {  	_ = 	snop  }
0x7: {  	_ = 	snop  }
__scs_overlays_trampoline_lowered:
0x8: {  	[smem:$0x3FA3] =	sst s0  }
0x9: {  	[smem:$0x3FA4] =	sst s1  }
0xa: {  	[smem:$0x3FA5] =	sst s2  }
0xb: {  	[smem:$0x3FA6] =	sst s3  }
0xc: {  	[smem:$0x3FA7] =	sst s4  }
0xd: {  	[smem:$0x3FA8] =	sst s5  }
0xe: {  	[smem:$0x3FA9] =	sst s6  }
0xf: {  	[smem:$0x3FAA] =	sst s7  }
0x10: {  	[smem:$0x3FAB] =	sst s8  }
0x11: {  	[smem:$0x3FAC] =	sst s9;
	s0 =	simm.s32 @!p0 $0x0  }
0x12: {  	s1 =	sld [smem:$0x3F92];
	s0 =	simm.s32 @p0 $0x1  }
0x13: {  	[smem:$0x3FAD] =	sst s0;
	s0 =	simm.s32 @!p1 $0x0  }
0x14: {  	s2 =	sld [smem:$0x3F91];
	s0 =	simm.s32 @p1 $0x1  }
0x15: {  	[smem:$0x3FAE] =	sst s0;
	s0 =	simm.s32 @!p2 $0x0  }
0x16: {  	s3 =	sld [smem:$0x3FDB];
	s0 =	simm.s32 @p2 $0x1  }
0x17: {  	s4 =	simm.s32 $0x1BF5;
	[smem:$0x3FB0] =	sst s0  }
0x18: {  	s0 =	sld [smem:$0x3F93];
	_ =	swait.ge [sflag:s4], $0x0  }
0x19: {  	s7 =	sld [smem:$0x3F94]  }
0x1a: {  	s8 =	sadd.s32 $0xFFFFE003, lr  }
0x1b: {  	s9 =	sadd.s32 $0xFFFFFEF7, lr;
	s5 =	simm.s32 $0xFFFFFFFF;
	p2 =	slt.u32 s8, $0xFFFFF086  }
0x1c: {  	p1 =	slt.u32 s9, $0xF7A;
	s5 =	simm.s32 @!p2 $0x0  }
0x1d: {  	s5 =	simm.s32 @p1 $0x1;
	p0 =	seq.s32 s7, s2  }
0x1e: {  	s7 =	smul.u32 @!p0 $0xF7A, s2;
	p2 =	seq.s32 @!p0 s5, $0x0  }
0x1f: {  	s9 =	smul.u32 $0xF7A, s1;
	s8 =	simm.s32 @!p0 $0x1BF5;
	p2 =	por !p2, p0  }
0x20: {  	[sflag:s8] =	ssyncset.s32 @!p0 $0xFFFFF086;
	s6 =	sadd.s32 @!p0 s3, s7;
	s7 =	simm.s32 @!p0 $0x108  }
0x21: {  	s3 =	sadd.s32 s3, s9;
	s6 =	sadd.s32 @!p0 $0x88, s6;
	s7 =	simm.s32 @p2 $0x1082  }
0x22: {  	[simem:s7], [sflag:s8] =	dma.local @!p0 [hbm:s6], $0xF7A  }
0x23: {  	s9 =	sor.u32 $0xD0000000, s2;
	s6 =	simm.s32 $0x108;
	_ =	swait.ge @!p0 [sflag:s8], $0x0  }
0x24: {  	s3 =	sadd.s32 $0x88, s3;
	s6 =	simm.s32 @!p1 $0x1082;
	[sflag:s4] =	ssyncset.s32 $0xFFFFF086  }
0x25: {  	[simem:s6], [sflag:s4] =	dma.local [hbm:s3], $0xF7A  }
0x26: {  	[smem:$0x3F94] =	sst s1;
	(tag) =	ssettag s2;
	_ =	strace s9  }
0x27: {  	s1 =	sld [smem:$0x3FA4]  }
0x28: {  	s2 =	sld [smem:$0x3FA5]  }
0x29: {  	s4 =	sld [smem:$0x3FA7]  }
0x2a: {  	p0 =	seq.s32 s5, $0x0;
	s5 =	sld [smem:$0x3FA8]  }
0x2b: {  	s6 =	sld [smem:$0x3FA9]  }
0x2c: {  	s7 =	sld [smem:$0x3FAA]  }
0x2d: {  	s3 =	simm.s32 $0x108;
	s8 =	sld [smem:$0x3FAB]  }
0x2e: {  	s3 =	simm.s32 @!p0 $0x1082;
	s9 =	sld [smem:$0x3FAC]  }
0x2f: {  	lr =	sadd.s32 s0, s3;
	s0 =	sld [smem:$0x3FA3]  }
0x30: {  	s3 =	sld [smem:$0x3FA6]  }
0x31: {  	[smem:$0x3FAF] =	sst s10  }
0x32: {  	s10 =	sld [smem:$0x3FAD];
	_ =	sdelay $0x3  }
0x33: {  	p0 =	seq.s32 s10, $0x1;
	s10 =	sld [smem:$0x3FAF];
	_ =	sdelay $0x3  }
0x34: {  	[smem:$0x3FAF] =	sst s10  }
0x35: {  	s10 =	sld [smem:$0x3FAE];
	_ =	sdelay $0x3  }
0x36: {  	p1 =	seq.s32 s10, $0x1;
	s10 =	sld [smem:$0x3FAF];
	_ =	sdelay $0x3  }
0x37: {  	[smem:$0x3FAF] =	sst s10  }
0x38: {  	s10 =	sld [smem:$0x3FB0]  }
0x39: {  	_ = 	snop;
	(pc) =	sbr.ind lr, $3  }
0x3a: {  	_ = 	snop  }
0x3b: {  	_ = 	snop  }
0x3c: {  	p2 =	seq.s32 s10, $0x1;
	s10 =	sld [smem:$0x3FAF]  }
0x3d: {  	_ =	shalt  }
0x3e: {  	_ =	shalt  }
0x3f: {  	_ =	shalt  }
0x40: {  	_ =	shalt  }
0x41: {  	_ =	shalt  }
0x42: {  	_ =	shalt  }
0x43: {  	_ =	shalt  }
0x44: {  	_ =	shalt  }
0x45: {  	_ =	shalt  }
0x46: {  	_ =	shalt  }
0x47: {  	_ =	shalt  }
0x48: {  	_ =	shalt  }
0x49: {  	_ =	shalt  }
0x4a: {  	_ =	shalt  }
0x4b: {  	_ =	shalt  }
0x4c: {  	_ =	shalt  }
0x4d: {  	_ =	shalt  }
0x4e: {  	_ =	shalt  }
0x4f: {  	_ =	shalt  }
0x50: {  	_ =	shalt  }
0x51: {  	_ =	shalt  }
0x52: {  	_ =	shalt  }
0x53: {  	_ =	shalt  }
0x54: {  	_ =	shalt  }
0x55: {  	_ =	shalt  }
0x56: {  	_ =	shalt  }
0x57: {  	_ =	shalt  }
0x58: {  	_ =	shalt  }
0x59: {  	_ =	shalt  }
0x5a: {  	_ =	shalt  }
0x5b: {  	_ =	shalt  }
0x5c: {  	_ =	shalt  }
0x5d: {  	_ =	shalt  }
0x5e: {  	_ =	shalt  }
0x5f: {  	_ =	shalt  }
0x60: {  	_ =	shalt  }
0x61: {  	_ =	shalt  }
0x62: {  	_ =	shalt  }
0x63: {  	_ =	shalt  }
0x64: {  	_ =	shalt  }
0x65: {  	_ =	shalt  }
0x66: {  	_ =	shalt  }
0x67: {  	_ =	shalt  }
0x68: {  	_ =	shalt  }
0x69: {  	_ =	shalt  }
0x6a: {  	_ =	shalt  }
0x6b: {  	_ =	shalt  }
0x6c: {  	_ =	shalt  }
0x6d: {  	_ =	shalt  }
0x6e: {  	_ =	shalt  }
0x6f: {  	_ =	shalt  }
0x70: {  	_ =	shalt  }
0x71: {  	_ =	shalt  }
0x72: {  	_ =	shalt  }
0x73: {  	_ =	shalt  }
0x74: {  	_ =	shalt  }
0x75: {  	_ =	shalt  }
0x76: {  	_ =	shalt  }
0x77: {  	_ =	shalt  }
0x78: {  	_ =	shalt  }
0x79: {  	_ =	shalt  }
0x7a: {  	_ =	shalt  }
0x7b: {  	_ =	shalt  }
0x7c: {  	_ =	shalt  }
0x7d: {  	_ =	shalt  }
0x7e: {  	_ =	shalt  }
0x7f: {  	_ =	shalt  }
0x80: {  	_ =	shalt  }
0x81: {  	_ =	shalt  }
0x82: {  	_ =	shalt  }
0x83: {  	_ =	shalt  }
0x84: {  	_ =	shalt  }
0x85: {  	_ =	shalt  }
0x86: {  	_ =	shalt  }
0x87: {  	_ =	shalt  }
.Lfunc_end0:
.L_simem_size_0:
called_computation_lowered:
.L_overlay_start_0:
0x88: {  	s2 =	sld [smem:$0x3FD9]  }
0x89: {  	s3 =	sld [smem:$0x3FFE];
	_ =	sdelay $0x1  }
0x8a: {  	s1 =	srdreg.scid  }
0x8b: {  	s0 =	sand.u32 $0x1, s1  }
0x8c: {  	s14 =	sshll.u32 s0, $0xA;
	s2 =	sadd.s32 s3, s2  }
0x8d: {  	s2 =	sadd.s32 s2, s14  }
0x8e: {  	[smem:$0x3FBB] =	sst s2  }
0x8f: {  	_ = 	snop  }
0x90: {  	s2 =	sld [smem:$0x3FD0];
	_ =	sdelay $0x2  }
0x91: {  	s15 =	simm.s32 $0xA;
	s4 =	simm.s32 $0x10  }
0x92: {  	[smem:s4], [sflag:s15] =	dma.local [hbm:s2], $0x1  }
0x93: {  	_ =	swait.eq [sflag:s15], $0x1  }
0x94: {  	[sflag:s15] =	ssyncset.done $0x0  }
0x95: {  	[sflag:s15] =	ssyncadd.s32 $0xFFFFFFFF  }
0x96: {  	s16 =	sld [smem:$0x10];
	(tm) =	ssettm $0x1  }
0x97: {  	s17 =	sld [smem:$0x3FFB];
	_ =	sdelay $0x3  }
0x98: {  	_ =	strace s17  }
0x99: {  	s3 =	sld [smem:$0x3FFC];
	_ =	sdelay $0x3  }
0x9a: {  	_ =	strace s3  }
0x9b: {  	s3 =	sld [smem:$0x3FFD];
	_ =	sdelay $0x3  }
0x9c: {  	_ =	strace s3  }
0x9d: {  	_ =	strace $0x8FFFFFFF  }
0x9e: {  	s18 =	sld [smem:$0x3FDB];
	_ =	sdelay $0x1  }
0x9f: {  	s19 =	simm.s32 $_scs_section_size  }
0xa0: {  	s5 =	simm.s32 $_size__tile_overlayer_lowered;
	s6 =	simm.s32 $_tile_overlayer_lowered  }
0xa1: {  	s22 =	simm.s32 $0x1BFF;
	s21 =	sshll.u32 s6, $0x1;
	s3 =	sadd.s32 s19, s18  }
0xa2: {  	s7 =	simm.s32 $0x0;
	s20 =	sshll.u32 s5, $0x1;
	s5 =	sadd.s32 s21, s3  }
0xa3: {  	[timem:s7], [sflag:s22] =	dma.local [hbm:s5], s20  }
0xa4: {  	_ =	swait.ge [sflag:s22], s20  }
0xa5: {  	s4 =	ssub.s32 $0x0, s20;
	[sflag:s22] =	ssyncset.done $0x0  }
0xa6: {  	[sflag:s22] =	ssyncadd.s32 s4;
	_ =	sdelay $0x1  }
0xa7: {  	s23 =	simm.s32 $0x1B8B  }
0xa8: {  	_ =	swait.ge [sflag:s23], $0x1  }
0xa9: {  	[sflag:s23] =	ssyncset.done $0x0  }
0xaa: {  	s25 =	simm.s32 $0x1B8E;
	s24 =	sld [smem:$0x3FFE];
	[sflag:s23] =	ssyncadd.s32 $0xFFFFFFFF  }
0xab: {  	s26 =	simm.s32 $execute0_lowered;
	[smem:$0x3FD2] =	sst s25  }
0xac: {  	s5 =	sshll.u32 s26, $0x1;
	_ =	strace $0x80000046;
	[dreg:$0x1] =	wrdreg $0xFFFFFFFF  }
0xad: {  	s28 =	simm.s32 $_size_execute0_lowered;
	s3 =	sadd.s32 s3, s5;
	[dreg:$0x0] =	wrdreg $0x0  }
0xae: {  	s5 =	sshll.u32 s28, $0x1;
	[dreg:$0x2] =	wrdreg s3  }
0xaf: {  	[dreg:$0x3] =	wrdreg s5  }
0xb0: {  	[dreg:$0x4] =	wrdreg $0xC0  }
0xb1: {  	_ =	task [dreg:s7], $0x5FFFF  }
0xb2: {  	[dreg:$0x1] =	wrdreg $0xFFFFFFFF  }
0xb3: {  	[dreg:$0x0] =	wrdreg $0x60  }
0xb4: {  	[dreg:$0x2] =	wrdreg s24  }
0xb5: {  	[dreg:$0x3] =	wrdreg s16  }
0xb6: {  	[dreg:$0x4] =	wrdreg $0x0  }
0xb7: {  	[dreg:$0x5] =	wrdreg $0x9  }
0xb8: {  	_ =	task.clear_ibuf [dreg:s7], $0x6FFFF;
	_ =	strace $0x90000046  }
0xb9: {  	s29 =	simm.s32 $0x9;
	_ =	strace $0x80000048  }
0xba: {  	_ =	swait.ge [sflag:s29], $0x1  }
0xbb: {  	[sflag:s29] =	ssyncadd.s32 $0xFFFFFFFF  }
0xbc: {  	_ =	strace $0x90000048  }
0xbd: {  	_ =	sfence  }
0xbe: {  	s30 =	sld [smem:$0x0];
	_ =	sdelay $0x2  }
0xbf: {  	s31 =	sshll.u32 s1, $0xD;
	s1 =	sshrl.u32 s1, $0x2  }
0xc0: {  	s3 =	sand.u32 $0x4000, s31;
	s1 =	sadd.s32 s1, s30  }
0xc1: {  	s0 =	sor.u32 s3, s0;
	s1 =	sshll.u32 s1, $0x11  }
0xc2: {  	s0 =	sor.u32 s1, s0  }
0xc3: {  	s0 =	sadd.s32 $0x8F2B, s0  }
0xc4: {  	[sflag:s0] =	ssyncadd.remote.s32 $0x1  }
0xc5: {  	_ =	sfence.sel $0xFFFF  }
0xc6: {  	[dreg:$0x0] =	wrdreg $0xFFFFFFFF;
	(pc) =	sbr.abs _section_cstart, $3  }
0xc7: {  	[dreg:$0x1] =	wrdreg $0xFFFFFFFF  }
0xc8: {  	_ =	task.clear_ibuf [dreg:s7], $0x2FFFF;
	_ =	strace $0x9FFFFFFF  }
0xc9: {  	(tm) =	ssettm $0x7FFFFFFF  }
tec
execute0_lowered:
.L_overlay_start_1:
0x0: {  	(tag) =	ssettag $0x1  }
0x1: {  	s0 =	rddreg [dreg:$0x0]  }
0x2: {  	s1 =	rddreg [dreg:$0x1]  }
0x3: {  	s2 =	rddreg [dreg:$0x2];
	s3 =	simm.s32 $0x0  }
0x4: {  	s4 =	srdreg.scid;
	s12 =	stileid.u32;
	s28 =	simm.s32 $0x195A0  }
0x5: {  	s29 =	simm.s32 $0x1;
	s30 =	simm.s32 $0x2;
	s31 =	simm.s32 $0x0  }
0x6: {  	[smem:$0x7FF] =	sst s3;
	s5 =	sadd.s32 $0x7600, s0;
	s4 =	sand.u32 $0x1, s4  }
0x7: {  	s6 =	sadd.s32 $0x50600, s0;
	s7 =	sadd.s32 $0x2400, s0;
	s10 =	smul.u32 $0x5A000, s12  }
0x8: {  	s11 =	sadd.s32 $0x7400, s0;
	s19 =	smul.u32 $0x16800, s12;
	_ =	strace $0x80000047  }
0x9: {  	s8 =	smul.u32 $0x2D000, s4;
	s9 =	ssub.s32 $0x2, s4;
	s10 =	sshrl.u32 s10, $0x2  }
0xa: {  	[dreg:$0x4] =	wrdreg s11;
	s4 =	sshll.u32 s4, $0x4;
	s10 =	sadd.s32 s10, s2  }
0xb: {  	s18 =	sshrl.u32 s9, $0x1;
	s4 =	sor.u32 s12, s4;
	s20 =	sadd.s32 $0x2D00, s10  }
0xc: {  	s26 =	sshrl.u32 s19, $0x3;
	s21 =	sadd.s32 $0x5A00, s10;
	[dreg:$0x5] =	wrdreg s20  }
0xd: {  	s0 =	sadd.s32 s8, s0;
	s22 =	sadd.s32 $0x8700, s10;
	[dreg:$0x6] =	wrdreg s21  }
0xe: {  	s8 =	ssub.s32 s9, s18;
	s23 =	sadd.s32 $0xB400, s10;
	[dreg:$0x7] =	wrdreg s22  }
0xf: {  	s9 =	sadd.s32 s19, s2;
	s24 =	sadd.s32 $0xE100, s10;
	[dreg:$0x8] =	wrdreg s23  }
0x10: {  	s17 =	smul.u32 $0x2710, s4;
	s25 =	sadd.s32 $0x10E00, s10;
	[dreg:$0x9] =	wrdreg s24  }
0x11: {  	s10 =	sadd.s32 $0x13B00, s10;
	s0 =	sadd.s32 $0x7C600, s0;
	[dreg:$0xa] =	wrdreg s25  }
0x12: {  	s18 =	smax.u32 s8, $0x1;
	[dreg:$0xb] =	wrdreg s10;
	s20 =	simm.s32 $0x3  }
0x13: {  	s21 =	simm.s32 $0x19AA0;
	s22 =	simm.s32 $0x16800;
	s23 =	simm.s32 $0x16850  }
0x14: {  	v0 =	vimm.f32 $0.0e+00;
	s24 =	sadd.s32 s26, s0;
	s25 =	simm.s32 $0x50;
	s26 =	simm.s32 $0x168A0  }
.LBB2_1:
0x15: {  	s0 =	rddreg [dreg:$0x4];
	s4 =	simm.s32 $0x1C7A0  }
0x16: {  	[tilespmem:s4], [sflag:$0x3] =	stream.linear.gather [hbm4b:s0+s3], $0x10, $0x38;
	[tilespmem:$0x1C7B0] =	vst v63  }
0x17: {  	_ =	swait.ge [sflag:s20], $0x10  }
0x18: {  	[sflag:s20] =	ssyncset.done $0x0  }
0x19: {  	[sflag:s20] =	ssyncadd.s32 $0xFFFFFFF0  }
0x1a: {  	s0 =	simm.s32 $0x0;
	s4 =	simm.s32 $0x240;
	v1 =	vld [tilespmem:$0x1C7A0]  }
.LBB2_2:
0x1b: {  	p0 =	sne.s32 s4, $0xB1C0;
	[tilespmem:s0+$0x19B20] =	vst v0  }
0x1c: {  	[tilespmem:s0+$0x19AA0] =	vst v0  }
0x1d: {  	[tilespmem:s0+$0x19AB0] =	vst v0  }
0x1e: {  	[tilespmem:s0+$0x19AC0] =	vst v0  }
.Ltmp0:
0x1f: {  	[tilespmem:s0+$0x19AD0] =	vst v0;
	(pc) =	sbr.rel @p0 .LBB2_2-.Ltmp0, $4  }
0x20: {  	[tilespmem:s0+$0x19AE0] =	vst v0  }
0x21: {  	[tilespmem:s0+$0x19AF0] =	vst v0  }
0x22: {  	[tilespmem:s0+$0x19B00] =	vst v0  }
0x23: {  	[tilespmem:s0+$0x19B10] =	vst v0;
	s0 =	sshra.s32 s4, $0x2;
	s4 =	sadd.s32 $0x240, s4  }
0x24: {  	[tilespmem:s0+$0x19B20] =	vst v0  }
0x25: {  	[tilespmem:s0+$0x19AA0] =	vst v0  }
0x26: {  	[tilespmem:s0+$0x19AB0] =	vst v0  }
0x27: {  	[tilespmem:s0+$0x19AC0] =	vst v0  }
0x28: {  	[tilespmem:s0+$0x19AD0] =	vst v0  }
0x29: {  	[tilespmem:s0+$0x19AE0] =	vst v0  }
0x2a: {  	[tilespmem:s0+$0x19AF0] =	vst v0  }
0x2b: {  	[tilespmem:s0+$0x19B00] =	vst v0  }
0x2c: {  	[tilespmem:s0+$0x19B10] =	vst v0  }
0x2d: {  	[spmem:s9] =	stream.linear.scatter [tilespmem:s21], [sflag:$0x3], $0x2D00, $0x38;
	[tilespmem:$0x1C7B0] =	vst v63  }
0x2e: {  	_ =	swait.ge [sflag:s20], $0x2D00  }
0x2f: {  	[sflag:s20] =	ssyncset.done $0x0  }
0x30: {  	s11 =	rddreg [dreg:$0x5];
	[sflag:s20] =	ssyncadd.s32 $0xFFFFD300  }
0x31: {  	[spmem:s11] =	stream.linear.scatter [tilespmem:s21], [sflag:$0x3], $0x2D00, $0x38;
	[tilespmem:$0x1C7B0] =	vst v63  }
0x32: {  	_ =	swait.ge [sflag:s20], $0x2D00  }
0x33: {  	[sflag:s20] =	ssyncset.done $0x0  }
0x34: {  	s12 =	rddreg [dreg:$0x6];
	[sflag:s20] =	ssyncadd.s32 $0xFFFFD300  }
0x35: {  	[spmem:s12] =	stream.linear.scatter [tilespmem:s21], [sflag:$0x3], $0x2D00, $0x38;
	[tilespmem:$0x1C7B0] =	vst v63  }
0x36: {  	_ =	swait.ge [sflag:s20], $0x2D00  }
0x37: {  	[sflag:s20] =	ssyncset.done $0x0  }
0x38: {  	s13 =	rddreg [dreg:$0x7];
	[sflag:s20] =	ssyncadd.s32 $0xFFFFD300  }
0x39: {  	[spmem:s13] =	stream.linear.scatter [tilespmem:s21], [sflag:$0x3], $0x2D00, $0x38;
	[tilespmem:$0x1C7B0] =	vst v63  }
0x3a: {  	_ =	swait.ge [sflag:s20], $0x2D00  }
0x3b: {  	[sflag:s20] =	ssyncset.done $0x0  }
0x3c: {  	s14 =	rddreg [dreg:$0x8];
	[sflag:s20] =	ssyncadd.s32 $0xFFFFD300  }
0x3d: {  	[spmem:s14] =	stream.linear.scatter [tilespmem:s21], [sflag:$0x3], $0x2D00, $0x38;
	[tilespmem:$0x1C7B0] =	vst v63  }
0x3e: {  	_ =	swait.ge [sflag:s20], $0x2D00  }
0x3f: {  	[sflag:s20] =	ssyncset.done $0x0  }
0x40: {  	s15 =	rddreg [dreg:$0x9];
	[sflag:s20] =	ssyncadd.s32 $0xFFFFD300  }
0x41: {  	[spmem:s15] =	stream.linear.scatter [tilespmem:s21], [sflag:$0x3], $0x2D00, $0x38;
	[tilespmem:$0x1C7B0] =	vst v63  }
0x42: {  	_ =	swait.ge [sflag:s20], $0x2D00  }
0x43: {  	[sflag:s20] =	ssyncset.done $0x0  }
0x44: {  	s16 =	rddreg [dreg:$0xa];
	[sflag:s20] =	ssyncadd.s32 $0xFFFFD300  }
0x45: {  	[spmem:s16] =	stream.linear.scatter [tilespmem:s21], [sflag:$0x3], $0x2D00, $0x38;
	[tilespmem:$0x1C7B0] =	vst v63  }
0x46: {  	_ =	swait.ge [sflag:s20], $0x2D00  }
0x47: {  	[sflag:s20] =	ssyncset.done $0x0  }
0x48: {  	s19 =	rddreg [dreg:$0xb];
	[sflag:s20] =	ssyncadd.s32 $0xFFFFD300  }
0x49: {  	[spmem:s19] =	stream.linear.scatter [tilespmem:s21], [sflag:$0x3], $0x2D00, $0x38;
	[tilespmem:$0x1C7B0] =	vst v63  }
0x4a: {  	_ =	swait.ge [sflag:s20], $0x2D00  }
0x4b: {  	[sflag:s20] =	ssyncset.done $0x0  }
0x4c: {  	[sflag:s20] =	ssyncadd.s32 $0xFFFFD300  }
0x4d: {  	s0 =	simm.s32 $0x0;
	[bflag:$0x0] =	sbarrier.arrive $0xFFFF  }
.LBB2_4:
0x4e: {  	s4 =	smul.u32 $0x50, s0;
	_ =	sdelay $0x1  }
0x4f: {  	s4 =	sadd.s32 s17, s4  }
0x50: {  	s4 =	sshrl.u32 s4, $0x3  }
0x51: {  	s8 =	sadd.s32 s5, s4  }
0x52: {  	[tilespmem:s22], [sflag:$0x3] =	stream.linear.gather [hbm4b:s8+s3], $0x50, $0x38;
	[tilespmem:$0x1C7B0] =	vst v63  }
0x53: {  	_ =	swait.ge [sflag:s20], $0x50  }
0x54: {  	[sflag:s20] =	ssyncset.done $0x0  }
0x55: {  	s4 =	sadd.s32 s1, s4;
	[sflag:s20] =	ssyncadd.s32 $0xFFFFFFB0  }
0x56: {  	[tilespmem:s23], [sflag:$0x3] =	stream.linear.gather [hbm4b:s4+s3], $0x50, $0x38;
	[tilespmem:$0x1C7B0] =	vst v63  }
0x57: {  	_ =	swait.ge [sflag:s20], $0x50  }
0x58: {  	[sflag:s20] =	ssyncset.done $0x0  }
0x59: {  	[sflag:s20] =	ssyncadd.s32 $0xFFFFFFB0  }
0x5a: {  	[tilespmem:s26], [sflag:$0x1] =	stream.indirect.gather [hbm4b:s6+s25], $0x90, s22, s25, $0xb8;
	[tilespmem:$0x1C7B0] =	vst v63  }
0x5b: {  	_ = 	snop  }
0x5c: {  	[tilespmem:s28], [sflag:$0x2] =	stream.indirect.gather [hbm4b:s7+s25], $0x10, s23, s25, $0xb8;
	[tilespmem:$0x1C7B0] =	vst v63  }
0x5d: {  	_ =	swait.ge [sflag:s29], $0x2D00  }
0x5e: {  	[sflag:s29] =	ssyncset.done $0x0  }
0x5f: {  	[sflag:s29] =	ssyncadd.s32 $0xFFFFD300  }
0x60: {  	_ =	swait.ge [sflag:s30], $0x500  }
0x61: {  	[sflag:s30] =	ssyncset.done $0x0  }
0x62: {  	s15 =	simm.s32 $0x195C0;
	[sflag:s30] =	ssyncadd.s32 $0xFFFFFB00  }
0x63: {  	s12 =	simm.s32 $0x169C0;
	v2 =	vld [tilespmem:s15+$0x10]  }
0x64: {  	v3 =	vld [tilespmem:s12+$0x110];
	_ =	sdelay $0x4  }
0x65: {  	v3 =	vadd.f32 v3, v2;
	v2 =	vadd.f32 v2, v1;
	_ =	sdelay $0x1  }
0x66: {  	v4 =	vmul.f32 $2.000000030e-01, v3;
	v5 =	vmul.f32 $2.000000030e-01, v2  }
0x67: {  	vm0 =	vgt.f32 v3, $0.0e+00;
	vm1 =	vgt.f32 v2, $0.0e+00  }
0x68: {  	v3 =	vsel vm0, v3, v4;
	v2 =	vsel vm1, v2, v5  }
0x69: {  	v2 =	vsub.f32 v3, v2;
	_ =	sdelay $0x1  }
0x6a: {  	v4 =	vld [tilespmem:s15+$0xFFFFFFF0];
	v2 =	vmul.f32 $1.442695020e+00, v2  }
0x6b: {  	v5 =	vld [tilespmem:s12+$0xFFFFFFF0]  }
0x6c: {  	v3 =	vld [tilespmem:s15+$0xFFFFFFE0];
	(erf) = vpow2.f32 v2  }
0x6d: {  	v2 =	vld [tilespmem:s12+$0xFFFFFF60];
	_ =	sdelay $0x3  }
0x6e: {  	v6 =	vld [tilespmem:s12+$0x90];
	v5 =	vadd.f32 v5, v4  }
0x6f: {  	v2 =	vadd.f32 v2, v3;
	v3 =	vadd.f32 v3, v1  }
0x70: {  	v4 =	vadd.f32 v4, v1;
	v10 =	vmul.f32 $2.000000030e-01, v5  }
0x71: {  	v9 =	vld [tilespmem:s15+$0x0];
	v7 =	vmul.f32 $2.000000030e-01, v2;
	v8 =	vmul.f32 $2.000000030e-01, v3  }
0x72: {  	v11 =	vld [tilespmem:s12+$0x80];
	v13 =	vmul.f32 $2.000000030e-01, v4;
	vm10 =	vgt.f32 v2, $0.0e+00;
	vm11 =	vgt.f32 v3, $0.0e+00;
	v12 =	vpop (erf)  }
0x73: {  	v2 =	vsel vm10, v2, v7;
	v3 =	vsel vm11, v3, v8;
	v6 =	vmul.f32 v12, v6  }
0x74: {  	s4 =	simm.s32 $0x19BC0;
	vm12 =	vgt.f32 v5, $0.0e+00;
	vm13 =	vgt.f32 v4, $0.0e+00;
	v2 =	vsub.f32 v2, v3  }
0x75: {  	v5 =	vsel vm12, v5, v10;
	v4 =	vsel vm13, v4, v13;
	[tilespmem:s4+$0x90] =	vst v6  }
0x76: {  	v4 =	vsub.f32 v5, v4;
	v2 =	vmul.f32 $1.442695020e+00, v2;
	v3 =	vld [tilespmem:s12+$0xA0]  }
0x77: {  	v5 =	vadd.f32 v11, v9  }
0x78: {  	v4 =	vmul.f32 $1.442695020e+00, v4;
	(erf) = vpow2.f32 v2;
	v2 =	vadd.f32 v9, v1  }
0x79: {  	v6 =	vmul.f32 $2.000000030e-01, v5  }
0x7a: {  	s16 =	simm.s32 $0x19600;
	vm14 =	vgt.f32 v5, $0.0e+00;
	(erf) = vpow2.f32 v4;
	v7 =	vmul.f32 $2.000000030e-01, v2  }
0x7b: {  	v5 =	vsel vm14, v5, v6;
	v6 =	vld [tilespmem:s16+$0x10];
	vm15 =	vgt.f32 v2, $0.0e+00;
	v3 =	vmul.f32 v12, v3  }
0x7c: {  	s19 =	simm.s32 $0x16C00;
	v4 =	vld [tilespmem:s12+$0xFFFFFEE0];
	v2 =	vsel vm15, v2, v7  }
0x7d: {  	v2 =	vsub.f32 v5, v2;
	v5 =	vld [tilespmem:s19+$0x110];
	[tilespmem:s4+$0xA0] =	vst v3  }
0x7e: {  	v3 =	vld [tilespmem:s12+$0xB0]  }
0x7f: {  	v7 =	vld [tilespmem:s12+$0xFFFFFF70]  }
0x80: {  	v2 =	vmul.f32 $1.442695020e+00, v2  }
0x81: {  	v11 =	vpop (erf)  }
0x82: {  	(erf) = vpow2.f32 v2;
	v2 =	vmul.f32 v11, v4  }
0x83: {  	v10 =	vpop (erf);
	v4 =	vadd.f32 v5, v6;
	v5 =	vadd.f32 v6, v1;
	v3 =	vmul.f32 v12, v3  }
0x84: {  	v7 =	vmul.f32 v10, v7;
	[tilespmem:s4+$0xFFFFFEE0] =	vst v2  }
0x85: {  	v14 =	vld [tilespmem:s16+$0xFFFFFFE0];
	v2 =	vmul.f32 $2.000000030e-01, v4;
	[tilespmem:s4+$0xB0] =	vst v3;
	v3 =	vmul.f32 $2.000000030e-01, v5  }
0x86: {  	v6 =	vld [tilespmem:s12+$0x0];
	vm4 =	vgt.f32 v4, $0.0e+00;
	vm5 =	vgt.f32 v5, $0.0e+00  }
0x87: {  	[tilespmem:s4+$0xFFFFFF70] =	vst v7;
	v2 =	vsel vm4, v4, v2;
	v7 =	vld [tilespmem:s12+$0xC0];
	v3 =	vsel vm5, v5, v3  }
0x88: {  	v8 =	vld [tilespmem:s12+$0xFFFFFEF0];
	v2 =	vsub.f32 v2, v3  }
0x89: {  	v9 =	vld [tilespmem:s12+$0xFFFFFF80]  }
0x8a: {  	v4 =	vld [tilespmem:s19+$0xFFFFFF60];
	v13 =	vmul.f32 $1.442695020e+00, v2  }
0x8b: {  	v5 =	vld [tilespmem:s19+$0xFFFFFFF0]  }
0x8c: {  	v3 =	vld [tilespmem:s16+$0xFFFFFFF0];
	v7 =	vmul.f32 v7, v12;
	v2 =	vpop (erf);
	(erf) = vpow2.f32 v13  }
0x8d: {  	v6 =	vmul.f32 v2, v6  }
0x8e: {  	[tilespmem:s4+$0xC0] =	vst v7  }
0x8f: {  	v4 =	vadd.f32 v4, v14;
	v7 =	vld [tilespmem:s12+$0xD0];
	[tilespmem:s4+$0x0] =	vst v6;
	v6 =	vmul.f32 v11, v8  }
0x90: {  	v13 =	vadd.f32 v14, v1;
	v8 =	vmul.f32 v10, v9  }
0x91: {  	v14 =	vld [tilespmem:s19+$0x90];
	v16 =	vmul.f32 $2.000000030e-01, v4;
	v5 =	vadd.f32 v5, v3;
	[tilespmem:s4+$0xFFFFFEF0] =	vst v6  }
0x92: {  	vm7 =	vgt.f32 v4, $0.0e+00;
	v3 =	vadd.f32 v3, v1;
	v18 =	vmul.f32 $2.000000030e-01, v13;
	[tilespmem:s4+$0xFFFFFF80] =	vst v8;
	v15 =	vld [tilespmem:s12+$0xFFFFFF00]  }
0x93: {  	vm3 =	vgt.f32 v13, $0.0e+00;
	v4 =	vsel vm7, v4, v16;
	v6 =	vmul.f32 $2.000000030e-01, v5;
	v17 =	vld [tilespmem:s12+$0xFFFFFF90]  }
0x94: {  	vm6 =	vgt.f32 v5, $0.0e+00;
	v8 =	vmul.f32 $2.000000030e-01, v3;
	v7 =	vmul.f32 v7, v12  }
0x95: {  	vm2 =	vgt.f32 v3, $0.0e+00;
	v5 =	vsel vm6, v5, v6;
	v6 =	vsel vm3, v13, v18;
	v13 =	vpop (erf)  }
0x96: {  	v19 =	vld [tilespmem:s16+$0x0];
	v3 =	vsel vm2, v3, v8;
	v4 =	vsub.f32 v4, v6;
	[tilespmem:s4+$0xD0] =	vst v7;
	v7 =	vmul.f32 v13, v14  }
0x97: {  	s8 =	simm.s32 $0x19E00;
	v16 =	vld [tilespmem:s19+$0x80];
	v3 =	vsub.f32 v5, v3;
	v5 =	vmul.f32 v11, v15  }
0x98: {  	v6 =	vld [tilespmem:s12+$0xE0];
	v4 =	vmul.f32 $1.442695020e+00, v4;
	v8 =	vmul.f32 v10, v17;
	[tilespmem:s8+$0x90] =	vst v7  }
0x99: {  	v9 =	vld [tilespmem:s12+$0x10];
	v3 =	vmul.f32 $1.442695020e+00, v3;
	[tilespmem:s4+$0xFFFFFF00] =	vst v5  }
0x9a: {  	(erf) = vpow2.f32 v4;
	v5 =	vld [tilespmem:s19+$0xA0];
	[tilespmem:s4+$0xFFFFFF90] =	vst v8  }
0x9b: {  	(erf) = vpow2.f32 v3;
	v3 =	vld [tilespmem:s12+$0xFFFFFFA0]  }
0x9c: {  	s10 =	simm.s32 $0x16E40;
	v4 =	vld [tilespmem:s12+$0xFFFFFF10]  }
0x9d: {  	s11 =	simm.s32 $0x19640;
	v20 =	vld [tilespmem:s10+$0xFFFFFF60];
	v14 =	vadd.f32 v19, v1;
	v7 =	vadd.f32 v16, v19;
	v6 =	vmul.f32 v6, v12  }
0x9e: {  	v21 =	vld [tilespmem:s11+$0xFFFFFFF0];
	v9 =	vmul.f32 v2, v9  }
0x9f: {  	v22 =	vld [tilespmem:s10+$0xFFFFFFF0];
	vm9 =	vgt.f32 v14, $0.0e+00;
	v16 =	vmul.f32 $2.000000030e-01, v7;
	[tilespmem:s4+$0xE0] =	vst v6;
	v6 =	vmul.f32 $2.000000030e-01, v14  }
0xa0: {  	vm8 =	vgt.f32 v7, $0.0e+00;
	v17 =	vld [tilespmem:s12+$0xF0];
	v5 =	vmul.f32 v13, v5;
	v3 =	vmul.f32 v3, v10  }
0xa1: {  	[tilespmem:s4+$0x10] =	vst v9;
	v15 =	vld [tilespmem:s19+$0xFFFFFF70];
	v7 =	vsel vm8, v7, v16;
	v4 =	vmul.f32 v4, v11;
	v6 =	vsel vm9, v14, v6  }
0xa2: {  	v9 =	vld [tilespmem:s12+$0x20];
	[tilespmem:s8+$0xA0] =	vst v5;
	v5 =	vsub.f32 v7, v6  }
0xa3: {  	v6 =	vld [tilespmem:s19+$0xB0]  }
0xa4: {  	v8 =	vld [tilespmem:s19+$0xFFFFFEE0];
	[tilespmem:s4+$0xFFFFFFA0] =	vst v3;
	v5 =	vmul.f32 $1.442695020e+00, v5;
	v3 =	vpop (erf)  }
0xa5: {  	[tilespmem:s4+$0xFFFFFF10] =	vst v4;
	v14 =	vmul.f32 v17, v12;
	v17 =	vld [tilespmem:s11+$0x10];
	v4 =	vpop (erf)  }
0xa6: {  	(erf) = vpow2.f32 v5;
	v5 =	vmul.f32 v4, v15;
	v15 =	vld [tilespmem:s10+$0x110]  }
0xa7: {  	v25 =	vld [tilespmem:s11+$0x0]  }
0xa8: {  	s13 =	simm.s32 $0x17080;
	v26 =	vld [tilespmem:s11+$0xFFFFFFE0];
	v6 =	vmul.f32 v13, v6  }
0xa9: {  	v54 =	vld [tilespmem:s13+$0xFFFFFF60];
	v9 =	vmul.f32 v2, v9  }
0xaa: {  	v18 =	vld [tilespmem:s19+$0x0];
	[tilespmem:s8+$0xB0] =	vst v6  }
0xab: {  	[tilespmem:s4+$0x20] =	vst v9;
	v8 =	vmul.f32 v3, v8;
	v6 =	vld [tilespmem:s19+$0xC0];
	v15 =	vadd.f32 v15, v17;
	v17 =	vadd.f32 v17, v1  }
0xac: {  	v9 =	vld [tilespmem:s12+$0x30]  }
0xad: {  	v7 =	vld [tilespmem:s12+$0xFFFFFF20];
	[tilespmem:s8+$0xFFFFFEE0] =	vst v8;
	v23 =	vmul.f32 $2.000000030e-01, v15;
	v24 =	vmul.f32 $2.000000030e-01, v17  }
0xae: {  	v20 =	vadd.f32 v20, v26;
	v8 =	vld [tilespmem:s19+$0xFFFFFEF0];
	[tilespmem:s8+$0xFFFFFF70] =	vst v5;
	vm10 =	vgt.f32 v15, $0.0e+00;
	vm11 =	vgt.f32 v17, $0.0e+00  }
0xaf: {  	v26 =	vadd.f32 v26, v1;
	v19 =	vld [tilespmem:s19+$0xFFFFFF80];
	v15 =	vsel vm10, v15, v23;
	v17 =	vsel vm11, v17, v24  }
0xb0: {  	s14 =	simm.s32 $0x19680;
	v16 =	vld [tilespmem:s12+$0xFFFFFFB0];
	v6 =	vmul.f32 v6, v13;
	v15 =	vsub.f32 v15, v17  }
0xb1: {  	v55 =	vld [tilespmem:s14+$0xFFFFFFF0];
	v29 =	vmul.f32 $2.000000030e-01, v26;
	v5 =	vpop (erf)  }
0xb2: {  	v18 =	vmul.f32 v5, v18;
	v23 =	vld [tilespmem:s10+$0x80];
	[tilespmem:s8+$0xC0] =	vst v6;
	v15 =	vmul.f32 $1.442695020e+00, v15  }
0xb3: {  	[tilespmem:s4+$0xF0] =	vst v14;
	v9 =	vmul.f32 v9, v2;
	v6 =	vmul.f32 v3, v8;
	v8 =	vadd.f32 v22, v21;
	v22 =	vld [tilespmem:s19+$0xD0]  }
0xb4: {  	vm13 =	vgt.f32 v20, $0.0e+00;
	v14 =	vld [tilespmem:s12+$0x100];
	[tilespmem:s8+$0x0] =	vst v18;
	v18 =	vmul.f32 v4, v19;
	(erf) = vpow2.f32 v15  }
0xb5: {  	vm15 =	vgt.f32 v26, $0.0e+00;
	v7 =	vmul.f32 v7, v11;
	v16 =	vmul.f32 v16, v10;
	v24 =	vld [tilespmem:s19+$0x10];
	[tilespmem:s8+$0xFFFFFEF0] =	vst v6  }
0xb6: {  	v19 =	vadd.f32 v21, v1;
	v6 =	vmul.f32 $2.000000030e-01, v8;
	vm12 =	vgt.f32 v8, $0.0e+00;
	[tilespmem:s8+$0xFFFFFF80] =	vst v18;
	v27 =	vld [tilespmem:s19+$0xFFFFFF00]  }
0xb7: {  	[tilespmem:s4+$0x30] =	vst v9;
	v15 =	vadd.f32 v25, v1;
	v23 =	vadd.f32 v23, v25;
	v25 =	vmul.f32 $2.000000030e-01, v20;
	v9 =	vld [tilespmem:s19+$0xFFFFFF90]  }
0xb8: {  	v30 =	vld [tilespmem:s12+$0x40];
	[tilespmem:s4+$0xFFFFFF20] =	vst v7;
	v28 =	vmul.f32 $2.000000030e-01, v19;
	vm14 =	vgt.f32 v19, $0.0e+00;
	v22 =	vmul.f32 v22, v13  }
0xb9: {  	[tilespmem:s4+$0xFFFFFFB0] =	vst v16;
	v6 =	vsel vm12, v8, v6;
	v8 =	vsel vm15, v26, v29;
	v20 =	vsel vm13, v20, v25;
	v25 =	vld [tilespmem:s10+$0x90]  }
0xba: {  	v53 =	vld [tilespmem:s12+$0xFFFFFFC0];
	v7 =	vsel vm14, v19, v28;
	v24 =	vmul.f32 v5, v24;
	v8 =	vsub.f32 v20, v8;
	[tilespmem:s8+$0xD0] =	vst v22  }
0xbb: {  	v26 =	vmul.f32 $2.000000030e-01, v15;
	v6 =	vsub.f32 v6, v7;
	v19 =	vmul.f32 v3, v27;
	v20 =	vld [tilespmem:s19+$0xE0]  }
0xbc: {  	v27 =	vld [tilespmem:s12+$0xFFFFFF30];
	[tilespmem:s8+$0x10] =	vst v24;
	v7 =	vmul.f32 $1.442695020e+00, v8;
	v8 =	vmul.f32 v4, v9  }
0xbd: {  	v6 =	vmul.f32 $1.442695020e+00, v6;
	v24 =	vmul.f32 v30, v2;
	[tilespmem:s8+$0xFFFFFF00] =	vst v19;
	v19 =	vld [tilespmem:s19+$0x20];
	v9 =	vpop (erf)  }
0xbe: {  	(erf) = vpow2.f32 v7;
	[tilespmem:s8+$0xFFFFFF90] =	vst v8;
	v16 =	vld [tilespmem:s19+$0xFFFFFF10];
	v7 =	vmul.f32 v9, v25  }
0xbf: {  	s11 =	simm.s32 $0x1A040;
	v22 =	vmul.f32 $2.000000030e-01, v23;
	[tilespmem:s4+$0x40] =	vst v24;
	(erf) = vpow2.f32 v6;
	v6 =	vld [tilespmem:s19+$0xFFFFFFA0]  }
0xc0: {  	vm6 =	vgt.f32 v23, $0.0e+00;
	vm7 =	vgt.f32 v15, $0.0e+00;
	v8 =	vmul.f32 v20, v13;
	[tilespmem:s11+$0x90] =	vst v7;
	v7 =	vld [tilespmem:s12+$0x50]  }
0xc1: {  	v17 =	vld [tilespmem:s10+$0xFFFFFEE0];
	v15 =	vsel vm7, v15, v26;
	v22 =	vsel vm6, v23, v22  }
0xc2: {  	v20 =	vmul.f32 v27, v11;
	v23 =	vld [tilespmem:s10+$0xA0];
	[tilespmem:s8+$0xE0] =	vst v8;
	v8 =	vsub.f32 v22, v15  }
0xc3: {  	v21 =	vld [tilespmem:s10+$0xFFFFFF70];
	v19 =	vmul.f32 v5, v19;
	v15 =	vmul.f32 v16, v3  }
0xc4: {  	v18 =	vld [tilespmem:s10+$0x0];
	[tilespmem:s4+$0xFFFFFF30] =	vst v20;
	v6 =	vmul.f32 v6, v4;
	v8 =	vmul.f32 $1.442695020e+00, v8  }
0xc5: {  	v26 =	vld [tilespmem:s14+$0x10];
	[tilespmem:s8+$0x20] =	vst v19;
	v7 =	vmul.f32 v7, v2  }
0xc6: {  	v16 =	vld [tilespmem:s19+$0xF0];
	[tilespmem:s8+$0xFFFFFF10] =	vst v15;
	(erf) = vpow2.f32 v8  }
0xc7: {  	v27 =	vld [tilespmem:s13+$0x110];
	[tilespmem:s8+$0xFFFFFFA0] =	vst v6;
	v8 =	vmul.f32 v9, v23  }
0xc8: {  	v19 =	vld [tilespmem:s12+$0xFFFFFF40];
	v6 =	vpop (erf);
	[tilespmem:s4+$0x50] =	vst v7  }
0xc9: {  	v15 =	vld [tilespmem:s19+$0x30];
	[tilespmem:s11+$0xA0] =	vst v8;
	v7 =	vpop (erf)  }
0xca: {  	v20 =	vmul.f32 v53, v10;
	v8 =	vmul.f32 v7, v21;
	v21 =	vld [tilespmem:s10+$0xB0]  }
0xcb: {  	v22 =	vld [tilespmem:s19+$0xFFFFFF20];
	v16 =	vmul.f32 v16, v13  }
0xcc: {  	[tilespmem:s4+$0xFFFFFFC0] =	vst v20;
	v23 =	vld [tilespmem:s19+$0xFFFFFFB0];
	v17 =	vmul.f32 v6, v17  }
0xcd: {  	v20 =	vld [tilespmem:s12+$0xFFFFFFD0];
	[tilespmem:s8+$0xF0] =	vst v16  }
0xce: {  	v14 =	vmul.f32 v14, v12;
	v24 =	vld [tilespmem:s12+$0x60];
	[tilespmem:s11+$0xFFFFFEE0] =	vst v17  }
0xcf: {  	v16 =	vld [tilespmem:s19+$0x100];
	[tilespmem:s11+$0xFFFFFF70] =	vst v8;
	v8 =	vpop (erf);
	v21 =	vmul.f32 v9, v21  }
0xd0: {  	[tilespmem:s4+$0x100] =	vst v14;
	v27 =	vadd.f32 v27, v26;
	v17 =	vld [tilespmem:s10+$0xFFFFFEF0];
	v18 =	vmul.f32 v8, v18  }
0xd1: {  	v26 =	vadd.f32 v26, v1;
	v14 =	vmul.f32 v23, v4;
	v23 =	vld [tilespmem:s14+$0x0];
	[tilespmem:s11+$0xB0] =	vst v21  }
0xd2: {  	v31 =	vmul.f32 $2.000000030e-01, v27;
	v15 =	vmul.f32 v15, v5;
	[tilespmem:s11+$0x0] =	vst v18;
	v18 =	vld [tilespmem:s14+$0xFFFFFFE0]  }
0xd3: {  	[tilespmem:s4+$0x110] =	vst v12;
	v32 =	vmul.f32 $2.000000030e-01, v26;
	v22 =	vmul.f32 v22, v3;
	v56 =	vld [tilespmem:s10+$0xC0]  }
0xd4: {  	vm8 =	vgt.f32 v27, $0.0e+00;
	vm9 =	vgt.f32 v26, $0.0e+00;
	[tilespmem:s8+$0x30] =	vst v15;
	v25 =	vld [tilespmem:s10+$0xFFFFFF80]  }
0xd5: {  	v33 =	vld [tilespmem:s13+$0xFFFFFEE0];
	v26 =	vsel vm9, v26, v32;
	v20 =	vmul.f32 v20, v10;
	[tilespmem:s8+$0xFFFFFF20] =	vst v22;
	v22 =	vsel vm8, v27, v31  }
0xd6: {  	v22 =	vsub.f32 v22, v26;
	v12 =	vmul.f32 v24, v2;
	v24 =	vld [tilespmem:s13+$0x80];
	[tilespmem:s8+$0xFFFFFFB0] =	vst v14;
	v14 =	vmul.f32 v6, v17  }
0xd7: {  	v19 =	vmul.f32 v19, v11;
	[tilespmem:s4+$0xFFFFFFD0] =	vst v20;
	v26 =	vadd.f32 v55, v1;
	v16 =	vmul.f32 v16, v13;
	v21 =	vld [tilespmem:s13+$0xFFFFFFF0]  }
0xd8: {  	v61 =	vld [tilespmem:s19+$0x40];
	v22 =	vmul.f32 $1.442695020e+00, v22;
	[tilespmem:s11+$0xFFFFFEF0] =	vst v14;
	v14 =	vadd.f32 v54, v18;
	v27 =	vmul.f32 v56, v9  }
0xd9: {  	v20 =	vld [tilespmem:s19+$0xFFFFFF30];
	vm11 =	vgt.f32 v26, $0.0e+00;
	v58 =	vadd.f32 v23, v1;
	[tilespmem:s8+$0x100] =	vst v16;
	v17 =	vmul.f32 v7, v25  }
0xda: {  	(erf) = vpow2.f32 v22;
	v59 =	vld [tilespmem:s10+$0x10];
	v18 =	vadd.f32 v18, v1;
	v16 =	vmul.f32 $2.000000030e-01, v14;
	[tilespmem:s11+$0xC0] =	vst v27  }
0xdb: {  	v23 =	vadd.f32 v24, v23;
	[tilespmem:s11+$0xFFFFFF80] =	vst v17;
	v17 =	vmul.f32 $2.000000030e-01, v26;
	vm12 =	vgt.f32 v14, $0.0e+00;
	v27 =	vld [tilespmem:s10+$0xD0]  }
0xdc: {  	v24 =	vld [tilespmem:s10+$0xFFFFFF00];
	v15 =	vadd.f32 v21, v55;
	v14 =	vsel vm12, v14, v16;
	v16 =	vmul.f32 $2.000000030e-01, v18  }
0xdd: {  	[tilespmem:s4+$0xFFFFFF40] =	vst v19;
	v25 =	vld [tilespmem:s13+$0x0];
	v19 =	vmul.f32 $2.000000030e-01, v23;
	vm14 =	vgt.f32 v23, $0.0e+00;
	vm13 =	vgt.f32 v18, $0.0e+00  }
0xde: {  	[tilespmem:s8+$0x110] =	vst v13;
	v22 =	vld [tilespmem:s10+$0xFFFFFF90];
	v57 =	vmul.f32 $2.000000030e-01, v15;
	vm10 =	vgt.f32 v15, $0.0e+00;
	v13 =	vsel vm13, v18, v16  }
0xdf: {  	v21 =	vld [tilespmem:s13+$0xFFFFFF70];
	v13 =	vsub.f32 v14, v13;
	v14 =	vsel vm14, v23, v19;
	v19 =	vmul.f32 v8, v59  }
0xe0: {  	[tilespmem:s4+$0x60] =	vst v12;
	v12 =	vsel vm10, v15, v57;
	v16 =	vsel vm11, v26, v17;
	v17 =	vld [tilespmem:s12+$0xFFFFFF50];
	v15 =	vmul.f32 v27, v9  }
0xe1: {  	v18 =	vld [tilespmem:s13+$0x90];
	v12 =	vsub.f32 v12, v16;
	v16 =	vmul.f32 v6, v24;
	[tilespmem:s11+$0x10] =	vst v19  }
0xe2: {  	v60 =	vmul.f32 $2.000000030e-01, v58;
	v27 =	vld [tilespmem:s19+$0xFFFFFFC0];
	[tilespmem:s11+$0xD0] =	vst v15  }
0xe3: {  	vm15 =	vgt.f32 v58, $0.0e+00;
	[tilespmem:s11+$0xFFFFFF00] =	vst v16;
	v16 =	vmul.f32 v7, v22;
	v23 =	vld [tilespmem:s10+$0xE0]  }
0xe4: {  	v13 =	vmul.f32 $1.442695020e+00, v13;
	v22 =	vld [tilespmem:s10+$0x20];
	v15 =	vsel vm15, v58, v60  }
0xe5: {  	v26 =	vmul.f32 v61, v5;
	v19 =	vmul.f32 $1.442695020e+00, v12;
	v24 =	vld [tilespmem:s10+$0xFFFFFF10];
	v12 =	vpop (erf);
	[tilespmem:s11+$0xFFFFFF90] =	vst v16;
	v14 =	vsub.f32 v14, v15  }
0xe6: {  	[tilespmem:s4+$0xFFFFFF60] =	vst v11;
	(erf) = vpow2.f32 v13;
	v13 =	vmul.f32 v12, v18;
	v18 =	vld [tilespmem:s10+$0xFFFFFFA0]  }
0xe7: {  	[tilespmem:s8+$0x40] =	vst v26;
	v16 =	vld [tilespmem:s12+$0x70];
	v14 =	vmul.f32 $1.442695020e+00, v14  }
0xe8: {  	v15 =	vld [tilespmem:s12+$0xFFFFFFE0];
	[tilespmem:s4+$0xFFFFFFF0] =	vst v10;
	(erf) = vpow2.f32 v19;
	s12 =	simm.s32 $0x1A280;
	v19 =	vmul.f32 v23, v9  }
0xe9: {  	[tilespmem:s12+$0x90] =	vst v13;
	v13 =	vld [tilespmem:s19+$0x50];
	(erf) = vpow2.f32 v14;
	v14 =	vmul.f32 v20, v3  }
0xea: {  	v22 =	vmul.f32 v8, v22;
	v20 =	vld [tilespmem:s13+$0xA0];
	[tilespmem:s11+$0xE0] =	vst v19  }
0xeb: {  	v18 =	vmul.f32 v18, v7;
	[tilespmem:s8+$0xFFFFFF30] =	vst v14;
	v23 =	vld [tilespmem:s10+$0xF0]  }
0xec: {  	[tilespmem:s11+$0x20] =	vst v22;
	v14 =	vmul.f32 v27, v4;
	v22 =	vld [tilespmem:s19+$0xFFFFFF40]  }
0xed: {  	v19 =	vmul.f32 v24, v6;
	v24 =	vld [tilespmem:s10+$0x30];
	[tilespmem:s11+$0xFFFFFFA0] =	vst v18  }
0xee: {  	v13 =	vmul.f32 v13, v5;
	[tilespmem:s8+$0xFFFFFFC0] =	vst v14;
	v27 =	vld [tilespmem:s10+$0xFFFFFFB0]  }
0xef: {  	[tilespmem:s11+$0xFFFFFF10] =	vst v19;
	v19 =	vmul.f32 v12, v20;
	v18 =	vld [tilespmem:s19+$0xFFFFFFD0]  }
0xf0: {  	v14 =	vmul.f32 v17, v11;
	v11 =	vpop (erf);
	[tilespmem:s8+$0x50] =	vst v13;
	v26 =	vld [tilespmem:s10+$0xFFFFFF20];
	v17 =	vmul.f32 v23, v9  }
0xf1: {  	v15 =	vmul.f32 v15, v10;
	v20 =	vmul.f32 v11, v33;
	v10 =	vpop (erf);
	[tilespmem:s12+$0xA0] =	vst v19;
	v19 =	vld [tilespmem:s19+$0x60]  }
0xf2: {  	v16 =	vmul.f32 v16, v2;
	v62 =	vmul.f32 v10, v21;
	v13 =	vpop (erf);
	v23 =	vld [tilespmem:s13+$0xB0];
	[tilespmem:s11+$0xF0] =	vst v17  }
0xf3: {  	[tilespmem:s12+$0xFFFFFEE0] =	vst v20;
	v63 =	vmul.f32 v13, v25;
	v25 =	vmul.f32 v24, v8;
	v21 =	vld [tilespmem:s10+$0x100]  }
0xf4: {  	v20 =	vld [tilespmem:s13+$0xFFFFFEF0];
	[tilespmem:s12+$0xFFFFFF70] =	vst v62;
	v18 =	vmul.f32 v18, v4;
	v17 =	vmul.f32 v22, v3  }
0xf5: {  	s15 =	simm.s32 $0xC;
	s16 =	simm.s32 $0x196C0;
	s14 =	simm.s32 $0x17080;
	v24 =	vmul.f32 v26, v6;
	v22 =	vld [tilespmem:s13+$0xFFFFFF80];
	v26 =	vmul.f32 v27, v7;
	[tilespmem:s12+$0x0] =	vst v63  }
.LBB2_5:
0xf6: {  	v27 =	vld [tilespmem:s16+$0x10];
	s13 =	sadd.s32 $0x240, s13;
	[tilespmem:s11+$0x30] =	vst v25;
	v19 =	vmul.f32 v19, v5  }
0xf7: {  	v25 =	vld [tilespmem:s13+$0x110];
	v23 =	vmul.f32 v12, v23;
	[tilespmem:s11+$0xFFFFFF20] =	vst v24  }
0xf8: {  	s15 =	sadd.s32 $0x4, s15;
	v24 =	vld [tilespmem:s13+$0xFFFFFF60];
	[tilespmem:s11+$0xFFFFFFB0] =	vst v26;
	v21 =	vmul.f32 v21, v9  }
0xf9: {  	p0 =	slt.u32 s15, $0x4C;
	v26 =	vld [tilespmem:s16+$0xFFFFFFF0];
	v20 =	vmul.f32 v11, v20;
	[tilespmem:s12+$0xB0] =	vst v23  }
0xfa: {  	v23 =	vld [tilespmem:s13+$0xFFFFFFF0];
	v22 =	vmul.f32 v10, v22;
	[tilespmem:s11+$0x100] =	vst v21  }
0xfb: {  	[tilespmem:s12+$0xFFFFFEF0] =	vst v20;
	v20 =	vld [tilespmem:s14+$0xC0]  }
0xfc: {  	v21 =	vld [tilespmem:s16+$0x0];
	v25 =	vadd.f32 v25, v27;
	v27 =	vadd.f32 v27, v1;
	[tilespmem:s12+$0xFFFFFF80] =	vst v22  }
0xfd: {  	v22 =	vld [tilespmem:s13+$0x80];
	[tilespmem:s8+$0xFFFFFF40] =	vst v17  }
0xfe: {  	v28 =	vld [tilespmem:s16+$0xFFFFFFE0];
	v29 =	vadd.f32 v26, v1;
	v30 =	vmul.f32 $2.000000030e-01, v25;
	v31 =	vmul.f32 $2.000000030e-01, v27;
	[tilespmem:s8+$0xFFFFFFD0] =	vst v18  }
0xff: {  	vm0 =	vgt.f32 v25, $0.0e+00;
	vm1 =	vgt.f32 v27, $0.0e+00;
	v17 =	vld [tilespmem:s13+$0xFFFFFEE0];
	v23 =	vadd.f32 v23, v26;
	[tilespmem:s8+$0x60] =	vst v19  }
0x100: {  	v18 =	vld [tilespmem:s13+$0xFFFFFF70];
	v25 =	vsel vm0, v25, v30;
	v26 =	vsel vm1, v27, v31;
	v20 =	vmul.f32 v20, v12;
	[tilespmem:s4+$0xFFFFFF50] =	vst v14  }
0x101: {  	v14 =	vmul.f32 $2.000000030e-01, v23;
	v27 =	vadd.f32 v21, v1;
	v19 =	vld [tilespmem:s13+$0x0];
	v25 =	vsub.f32 v25, v26;
	[tilespmem:s4+$0xFFFFFFE0] =	vst v15  }
0x102: {  	vm0 =	vgt.f32 v23, $0.0e+00;
	v15 =	vmul.f32 $2.000000030e-01, v29;
	v21 =	vadd.f32 v22, v21;
	v22 =	vld [tilespmem:s14+$0x10];
	[tilespmem:s12+$0xC0] =	vst v20  }
0x103: {  	v20 =	vadd.f32 v24, v28;
	v24 =	vadd.f32 v28, v1;
	v25 =	vmul.f32 $1.442695020e+00, v25;
	v26 =	vld [tilespmem:s14+$0xD0];
	[tilespmem:s4+$0x70] =	vst v16  }
0x104: {  	vm1 =	vgt.f32 v29, $0.0e+00;
	v28 =	vmul.f32 $2.000000030e-01, v27;
	v16 =	vmul.f32 $2.000000030e-01, v21;
	v30 =	vld [tilespmem:s14+$0xFFFFFF00];
	[tilespmem:s4+$0x80] =	vst v2;
	v2 =	vmovc v5;
	v5 =	vmovc v8;
	s4 =	smov.u32 s8;
	s8 =	smov.u32 s11;
	s11 =	smov.u32 s12  }
0x105: {  	v8 =	vmovc v13;
	vm2 =	vgt.f32 v20, $0.0e+00;
	v31 =	vmul.f32 $2.000000030e-01, v20;
	(erf) = vpow2.f32 v25;
	v25 =	vld [tilespmem:s14+$0xFFFFFF90];
	[tilespmem:s8+$0x110] =	vst v9;
	v9 =	vmovc v12  }
0x106: {  	vm4 =	vgt.f32 v21, $0.0e+00;
	vm3 =	vgt.f32 v24, $0.0e+00;
	v12 =	vmul.f32 $2.000000030e-01, v24;
	v13 =	vld [tilespmem:s10+$0x40]  }
0x107: {  	v14 =	vsel vm0, v23, v14;
	vm0 =	vgt.f32 v27, $0.0e+00;
	v20 =	vsel vm2, v20, v31;
	v23 =	vld [tilespmem:s10+$0xFFFFFF30]  }
0x108: {  	v15 =	vsel vm1, v29, v15;
	v12 =	vsel vm3, v24, v12;
	v24 =	vmul.f32 v26, v9;
	v26 =	vld [tilespmem:s10+$0xFFFFFFC0]  }
0x109: {  	v16 =	vsel vm4, v21, v16;
	v12 =	vsub.f32 v20, v12;
	v20 =	vsel vm0, v27, v28;
	v21 =	vld [tilespmem:s19+$0xFFFFFF50];
	[tilespmem:s4+$0xFFFFFF60] =	vst v3  }
0x10a: {  	v14 =	vsub.f32 v14, v15;
	v15 =	vsub.f32 v16, v20;
	v20 =	vmul.f32 v8, v22;
	v16 =	vld [tilespmem:s13+$0x90];
	[tilespmem:s12+$0xD0] =	vst v24  }
0x10b: {  	v22 =	vmul.f32 v11, v30;
	v27 =	vmul.f32 $1.442695020e+00, v12;
	v24 =	vld [tilespmem:s14+$0xE0]  }
0x10c: {  	v14 =	vmul.f32 $1.442695020e+00, v14;
	v15 =	vmul.f32 $1.442695020e+00, v15;
	[tilespmem:s12+$0x10] =	vst v20;
	v20 =	vld [tilespmem:s19+$0xFFFFFFE0]  }
0x10d: {  	(erf) = vpow2.f32 v27;
	[tilespmem:s12+$0xFFFFFF00] =	vst v22;
	v22 =	vmul.f32 v10, v25;
	v25 =	vld [tilespmem:s14+$0x20]  }
0x10e: {  	v13 =	vmul.f32 v13, v5;
	(erf) = vpow2.f32 v14;
	v12 =	vpop (erf);
	v27 =	vld [tilespmem:s14+$0xFFFFFF10];
	[tilespmem:s4+$0xFFFFFFF0] =	vst v4  }
0x10f: {  	v14 =	vmul.f32 v12, v16;
	(erf) = vpow2.f32 v15;
	[tilespmem:s12+$0xFFFFFF90] =	vst v22;
	v16 =	vld [tilespmem:s19+$0x70];
	s19 =	smov.u32 s10;
	s10 =	smov.u32 s14;
	s14 =	smov.u32 s13  }
0x110: {  	v23 =	vmul.f32 v23, v6;
	s12 =	sadd.s32 $0x240, s12;
	v22 =	vld [tilespmem:s10+$0xFFFFFFA0];
	v15 =	vmul.f32 v24, v9;
	[tilespmem:s8+$0x40] =	vst v13  }
0x111: {  	v13 =	vmul.f32 v26, v7;
	[tilespmem:s12+$0x90] =	vst v14;
	v24 =	vld [tilespmem:s19+$0x50];
	v14 =	vmul.f32 v21, v3;
	v3 =	vmovc v6;
	v6 =	vmov v11  }
0x112: {  	v21 =	vld [tilespmem:s13+$0xA0];
	v11 =	vmul.f32 v8, v25;
	[tilespmem:s11+$0xE0] =	vst v15;
	v15 =	vmul.f32 v20, v4;
	v4 =	vmovc v7;
	v7 =	vmov v10  }
0x113: {  	v10 =	vmul.f32 v27, v6;
	v20 =	vld [tilespmem:s10+$0xF0];
	[tilespmem:s8+$0xFFFFFF30] =	vst v23  }
0x114: {  	[tilespmem:s11+$0x20] =	vst v11;
	v23 =	vld [tilespmem:s19+$0xFFFFFF40];
	v16 =	vmul.f32 v16, v2  }
0x115: {  	[tilespmem:s11+$0xFFFFFF10] =	vst v10;
	v22 =	vmul.f32 v22, v7;
	v25 =	vld [tilespmem:s10+$0x30]  }
0x116: {  	v11 =	vpop (erf);
	v26 =	vld [tilespmem:s10+$0xFFFFFF20];
	[tilespmem:s8+$0xFFFFFFC0] =	vst v13;
	v24 =	vmul.f32 v24, v5  }
0x117: {  	v27 =	vmul.f32 v11, v17;
	v17 =	vmul.f32 v12, v21;
	v10 =	vpop (erf);
	[tilespmem:s11+$0xFFFFFFA0] =	vst v22;
	v22 =	vld [tilespmem:s19+$0xFFFFFFD0]  }
0x118: {  	v18 =	vmul.f32 v10, v18;
	v13 =	vpop (erf);
	v28 =	vld [tilespmem:s10+$0xFFFFFFB0];
	v20 =	vmul.f32 v20, v9;
	[tilespmem:s8+$0x50] =	vst v24  }
.Ltmp1:
0x119: {  	v29 =	vmul.f32 v13, v19;
	[tilespmem:s12+$0xA0] =	vst v17;
	v17 =	vmul.f32 v23, v3;
	v19 =	vld [tilespmem:s19+$0x60];
	(pc) =	sbr.rel @p0 .LBB2_5-.Ltmp1, $4  }
0x11a: {  	v23 =	vld [tilespmem:s13+$0xB0];
	v25 =	vmul.f32 v25, v8;
	[tilespmem:s11+$0xF0] =	vst v20  }
0x11b: {  	[tilespmem:s12+$0xFFFFFEE0] =	vst v27;
	v24 =	vmul.f32 v26, v6;
	v21 =	vld [tilespmem:s10+$0x100]  }
0x11c: {  	v20 =	vld [tilespmem:s13+$0xFFFFFEF0];
	[tilespmem:s12+$0xFFFFFF70] =	vst v18;
	v18 =	vmul.f32 v22, v4  }
0x11d: {  	s16 =	sadd.s32 $0x40, s16;
	v22 =	vld [tilespmem:s13+$0xFFFFFF80];
	[tilespmem:s12+$0x0] =	vst v29;
	v26 =	vmul.f32 v28, v7  }
0x11e: {  	_ = 	snop  }
0x11f: {  	v23 =	vmul.f32 v12, v23;
	_ =	sdelay $0x1  }
0x120: {  	[tilespmem:s12+$0xB0] =	vst v23  }
0x121: {  	v23 =	vld [tilespmem:s14+$0xC0];
	_ =	sdelay $0x1  }
0x122: {  	[tilespmem:s11+$0x30] =	vst v25  }
0x123: {  	[tilespmem:s11+$0xFFFFFF20] =	vst v24  }
0x124: {  	[tilespmem:s8+$0xFFFFFF40] =	vst v17  }
0x125: {  	v63 =	vld [tilespmem:s14+$0x10];
	[tilespmem:s8+$0xFFFFFFD0] =	vst v18;
	v23 =	vmul.f32 v23, v12  }
0x126: {  	[tilespmem:s4+$0xFFFFFF50] =	vst v14  }
0x127: {  	[tilespmem:s12+$0xC0] =	vst v23  }
0x128: {  	[tilespmem:s4+$0xFFFFFFE0] =	vst v15;
	v20 =	vmul.f32 v11, v20;
	v23 =	vld [tilespmem:s14+$0xD0]  }
0x129: {  	[tilespmem:s4+$0x70] =	vst v16  }
0x12a: {  	[tilespmem:s12+$0xFFFFFEF0] =	vst v20;
	v30 =	vmul.f32 v13, v63  }
0x12b: {  	[tilespmem:s4+$0x80] =	vst v2;
	v22 =	vmul.f32 v10, v22;
	v29 =	vld [tilespmem:s14+$0xFFFFFF00]  }
0x12c: {  	[tilespmem:s12+$0x10] =	vst v30  }
0x12d: {  	[tilespmem:s12+$0xFFFFFF80] =	vst v22;
	v32 =	vld [tilespmem:s14+$0x20];
	v28 =	vmul.f32 v23, v12  }
0x12e: {  	[tilespmem:s11+$0x110] =	vst v9;
	v31 =	vld [tilespmem:s14+$0xFFFFFF90]  }
0x12f: {  	v34 =	vld [tilespmem:s10+$0x40];
	[tilespmem:s12+$0xD0] =	vst v28  }
0x130: {  	[tilespmem:s11+$0xFFFFFFB0] =	vst v26;
	v33 =	vmul.f32 v11, v29;
	v17 =	vld [tilespmem:s14+$0xE0]  }
0x131: {  	v43 =	vld [tilespmem:s19+$0xFFFFFF50];
	[tilespmem:s8+$0xFFFFFF60] =	vst v3  }
0x132: {  	v45 =	vld [tilespmem:s19+$0xFFFFFFE0];
	[tilespmem:s12+$0xFFFFFF00] =	vst v33;
	v39 =	vmul.f32 v13, v32  }
0x133: {  	[tilespmem:s8+$0xFFFFFFF0] =	vst v4;
	v35 =	vmul.f32 v10, v31;
	v38 =	vld [tilespmem:s14+$0xFFFFFF10]  }
0x134: {  	v19 =	vmul.f32 v19, v5;
	v36 =	vld [tilespmem:s10+$0xFFFFFF30];
	[tilespmem:s12+$0x20] =	vst v39  }
0x135: {  	[tilespmem:s12+$0xFFFFFF90] =	vst v35;
	v41 =	vld [tilespmem:s14+$0x30];
	v37 =	vmul.f32 v17, v12  }
0x136: {  	[tilespmem:s8+$0x60] =	vst v19;
	v2 =	vmul.f32 v34, v8;
	v40 =	vld [tilespmem:s14+$0xFFFFFFA0]  }
0x137: {  	v56 =	vld [tilespmem:s19+$0x70];
	[tilespmem:s12+$0xE0] =	vst v37  }
0x138: {  	[tilespmem:s11+$0x40] =	vst v2;
	v2 =	vmul.f32 v38, v11;
	v14 =	vld [tilespmem:s14+$0xF0]  }
0x139: {  	v21 =	vmul.f32 v21, v9;
	[tilespmem:s8+$0x80] =	vst v5;
	v44 =	vld [tilespmem:s10+$0x50]  }
0x13a: {  	v42 =	vld [tilespmem:s10+$0xFFFFFFC0];
	[tilespmem:s12+$0xFFFFFF10] =	vst v2;
	v15 =	vmul.f32 v41, v13  }
0x13b: {  	[tilespmem:s11+$0x100] =	vst v21;
	v19 =	vmul.f32 v40, v10;
	v46 =	vld [tilespmem:s14+$0xFFFFFF20]  }
0x13c: {  	v18 =	vmul.f32 v36, v6;
	[tilespmem:s12+$0x30] =	vst v15  }
0x13d: {  	[tilespmem:s12+$0xFFFFFFA0] =	vst v19;
	v49 =	vld [tilespmem:s14+$0x40];
	v2 =	vmul.f32 v14, v12  }
0x13e: {  	[tilespmem:s11+$0xFFFFFF30] =	vst v18;
	v48 =	vmul.f32 v44, v8;
	v19 =	vld [tilespmem:s14+$0xFFFFFFB0]  }
0x13f: {  	[tilespmem:s12+$0xF0] =	vst v2;
	v2 =	vmul.f32 v42, v7  }
0x140: {  	v18 =	vld [tilespmem:s10+$0xFFFFFF40];
	[tilespmem:s11+$0x50] =	vst v48;
	v14 =	vmul.f32 v46, v11  }
0x141: {  	v3 =	vmul.f32 v43, v3;
	v15 =	vld [tilespmem:s10+$0x60];
	[tilespmem:s11+$0xFFFFFFC0] =	vst v2  }
0x142: {  	v50 =	vmul.f32 v49, v13;
	[tilespmem:s12+$0xFFFFFF20] =	vst v14;
	v2 =	vld [tilespmem:s10+$0xFFFFFFD0]  }
0x143: {  	[tilespmem:s8+$0xFFFFFF50] =	vst v3;
	v19 =	vmul.f32 v19, v10;
	v52 =	vld [tilespmem:s14+$0xFFFFFF30]  }
0x144: {  	v57 =	vmul.f32 v56, v5;
	[tilespmem:s12+$0x40] =	vst v50  }
0x145: {  	v51 =	vmul.f32 v18, v6;
	[tilespmem:s12+$0xFFFFFFB0] =	vst v19;
	v55 =	vld [tilespmem:s14+$0x50]  }
0x146: {  	[tilespmem:s8+$0x70] =	vst v57;
	v54 =	vmul.f32 v15, v8;
	v53 =	vld [tilespmem:s14+$0xFFFFFFC0]  }
0x147: {  	[tilespmem:s11+$0xFFFFFF40] =	vst v51;
	v2 =	vmul.f32 v2, v7  }
0x148: {  	[tilespmem:s11+$0x60] =	vst v54;
	v3 =	vmul.f32 v52, v11  }
0x149: {  	v59 =	vld [tilespmem:s10+$0xFFFFFF50];
	[tilespmem:s11+$0xFFFFFFD0] =	vst v2;
	v2 =	vmul.f32 v45, v4  }
0x14a: {  	v47 =	vld [tilespmem:s14+$0x100];
	[tilespmem:s12+$0xFFFFFF30] =	vst v3;
	v3 =	vmul.f32 v55, v13  }
0x14b: {  	v61 =	vld [tilespmem:s10+$0x70];
	[tilespmem:s8+$0xFFFFFFE0] =	vst v2;
	v2 =	vmul.f32 v53, v10  }
0x14c: {  	v58 =	vld [tilespmem:s14+$0xFFFFFF40];
	[tilespmem:s12+$0x50] =	vst v3  }
0x14d: {  	v3 =	vld [tilespmem:s14+$0x60];
	[tilespmem:s12+$0xFFFFFFC0] =	vst v2  }
0x14e: {  	[tilespmem:s11+$0xFFFFFF60] =	vst v6;
	v2 =	vld [tilespmem:s14+$0xFFFFFFD0]  }
0x14f: {  	[tilespmem:s11+$0x80] =	vst v8;
	v9 =	vmul.f32 v47, v12  }
0x150: {  	[tilespmem:s12+$0x110] =	vst v12;
	v62 =	vmul.f32 v61, v8;
	v60 =	vld [tilespmem:s10+$0xFFFFFFE0]  }
0x151: {  	[tilespmem:s12+$0x100] =	vst v9;
	v9 =	vmul.f32 v58, v11  }
0x152: {  	[tilespmem:s11+$0x70] =	vst v62;
	v3 =	vmul.f32 v3, v13  }
0x153: {  	[tilespmem:s12+$0xFFFFFF40] =	vst v9;
	v2 =	vmul.f32 v2, v10  }
0x154: {  	[tilespmem:s12+$0x60] =	vst v3  }
0x155: {  	v3 =	vld [tilespmem:s14+$0xFFFFFF50];
	[tilespmem:s12+$0xFFFFFFD0] =	vst v2;
	v2 =	vmul.f32 v60, v7  }
0x156: {  	v4 =	vmul.f32 v59, v6;
	[tilespmem:s11+$0xFFFFFFF0] =	vst v7;
	v63 =	vld [tilespmem:s14+$0xFFFFFFE0]  }
0x157: {  	[tilespmem:s11+$0xFFFFFFE0] =	vst v2;
	v2 =	vld [tilespmem:s14+$0x70]  }
0x158: {  	[tilespmem:s11+$0xFFFFFF50] =	vst v4  }
0x159: {  	[tilespmem:s12+$0xFFFFFF60] =	vst v11  }
0x15a: {  	v3 =	vmul.f32 v3, v11;
	[tilespmem:s12+$0xFFFFFFF0] =	vst v10  }
0x15b: {  	[tilespmem:s12+$0x80] =	vst v13;
	v4 =	vmul.f32 v63, v10  }
0x15c: {  	s0 =	sadd.s32 $0x1, s0;
	[tilespmem:s12+$0xFFFFFF50] =	vst v3;
	v2 =	vmul.f32 v2, v13  }
0x15d: {  	p0 =	sne.s32 s0, $0x7D;
	[tilespmem:s12+$0xFFFFFFE0] =	vst v4  }
.Ltmp2:
0x15e: {  	[tilespmem:s12+$0x70] =	vst v2;
	(pc) =	sbr.rel @p0 .LBB2_4-.Ltmp2, $4  }
0x15f: {  	[spmem:s2] =	stream.indirect.scatter.add.f32 [tilespmem:s21], [sflag:$0x3], $0x90, s23, s25, $0xb8;
	[tilespmem:$0x1C7B0] =	vst v63  }
0x160: {  	_ =	swait.ge [sflag:s20], $0x2D00  }
0x161: {  	[sflag:s20] =	ssyncset.done $0x0  }
0x162: {  	[sflag:s20] =	ssyncadd.s32 $0xFFFFD300  }
0x163: {  	s0 =	stileid.u32;
	s31 =	sadd.s32 $0x1, s31  }
0x164: {  	[bflag:$0x0] =	sbarrier.arrive $0xFFFF;
	s0 =	sshll.u32 s0, $0x6;
	p0 =	sne.s32 s31, s18  }
.Ltmp3:
0x165: {  	s4 =	sshrl.u32 s9, $0x3;
	s0 =	sor.u32 $0x1C03, s0;
	(pc) =	sbr.rel @p0 .LBB2_1-.Ltmp3, $4  }
0x166: {  	[hbm:s24], [sflag:s0] =	dma.local [spmem:s4], $0x2D00  }
0x167: {  	_ =	swait.ge [sflag:s20], $0x2D00  }
0x168: {  	[sflag:s20] =	ssyncset.done $0x0  }
0x169: {  	[sflag:s20] =	ssyncadd.s32 $0xFFFFD300  }
0x16a: {  	_ =	sfence.sel $0x180000  }
0x16b: {  	[bflag:$0x0] =	sbarrier.arrive $0xFFFF  }
0x16c: {  	_ =	strace $0x90000047  }
0x16d: {  	s0 =	stileid.u32;
	[bflag:$0x2] =	sbarrier.arrive $0xFFFF  }
0x16e: {  	p0 =	sne.s32 s0, $0x0;
	s0 =	rddreg [dreg:$0x3]  }
0x16f: {  	s0 =	sadd.s32 @!p0 $0x100000, s0  }
0x170: {  	[sflag:s0] =	ssyncadd.tile.s32 @!p0 $0x1;
	_ =	shalt  }
.Lfunc_end2:
_tile_overlayer_lowered:
.L_overlay_start_2:
0x171: {  	(tag) =	ssettag $0x2  }
0x172: {  	s0 =	rddreg [dreg:$0x0];
	s2 =	stileid.u32  }
0x173: {  	s1 =	rddreg [dreg:$0x1];
	p0 =	sne.s32 s2, $0x0  }
0x174: {  	s3 =	rddreg [dreg:$0x2];
	[bflag:$0x3] =	sbarrier.arrive $0xFFFF;
	s2 =	simm.s32 @!p0 $0x1C03  }
0x175: {  	[timem:s3], [sflag:s2] =	dma.local @!p0 [hbm:s0], s1  }
0x176: {  	s0 =	simm.s32 @!p0 $0x3  }
0x177: {  	_ =	swait.ge @!p0 [sflag:s0], s1  }
0x178: {  	s1 =	ssub.s32 @!p0 $0x0, s1;
	[sflag:s0] =	ssyncset.done @!p0 $0x0  }
0x179: {  	[sflag:s0] =	ssyncadd.s32 @!p0 s1  }
0x17a: {  	[bflag:$0x3] =	sbarrier.arrive $0xFFFF  }
0x17b: {  	_ =	shalt  }

</sc_bundles>
